<compile_context>
chip_gen: v7x
topology: tpu7x:2x2x1
jax: 0.10.2.dev20260603
libtpu: 0.0.44.dev20260713+nightly
codegen_flags: <defaults>
</compile_context>

<pallas_src>
import functools

import jax
import jax.numpy as jnp
from jax import lax
from jax.experimental import pallas as pl
from jax.experimental.pallas import tpu as pltpu
from jax.experimental.pallas import tpu_sc as plsc

B = 16384
D = 64

_info = plsc.get_sparse_core_info()
_NC, _NS, _L = _info.num_cores, _info.num_subcores, _info.num_lanes
_NW = _NC * _NS
_BPW = B // _NW
_CHUNK = 128
_NCHUNK = _BPW // _CHUNK


def _mf_body(uid_hbm, iid_hbm, uemb_hbm, iemb_hbm, bias_hbm, gb_hbm,
             out_hbm,
             uidx_v, iidx_v, urows_v, irows_v, ub_v, ib_v, out_v, gb_v, sem):
    wid = lax.axis_index("s") * _NC + lax.axis_index("c")
    base = wid * _BPW

    for j in range(_NCHUNK):
        pltpu.sync_copy(uid_hbm.at[pl.ds(base + j * _CHUNK, _CHUNK)], uidx_v.at[j])
        pltpu.sync_copy(iid_hbm.at[pl.ds(base + j * _CHUNK, _CHUNK)], iidx_v.at[j])
    pltpu.sync_copy(gb_hbm, gb_v)

    copies = []
    for j in range(_NCHUNK):
        sl = pl.ds(j * _CHUNK, _CHUNK)
        copies.append(pltpu.async_copy(uemb_hbm.at[uidx_v.at[j]], urows_v.at[sl], sem))
        copies.append(pltpu.async_copy(iemb_hbm.at[iidx_v.at[j]], irows_v.at[sl], sem))
        copies.append(pltpu.async_copy(bias_hbm.at[pl.ds(0, 1000000)].at[uidx_v.at[j]], ub_v.at[sl], sem))
        copies.append(pltpu.async_copy(bias_hbm.at[pl.ds(1000000, 1000000)].at[iidx_v.at[j]], ib_v.at[sl], sem))
    for c in copies:
        c.wait()

    gbv = gb_v[...]
    iota = lax.broadcasted_iota(jnp.int32, (_L,), 0)

    def group(g, carry):
        r0 = g * _L
        acc = ub_v[pl.ds(r0, _L)] + ib_v[pl.ds(r0, _L)] + gbv
        for l in range(_L):
            r = r0 + l
            p = urows_v[r, pl.ds(0, _L)] * irows_v[r, pl.ds(0, _L)]
            for k in range(1, D // _L):
                p = p + urows_v[r, pl.ds(k * _L, _L)] * irows_v[r, pl.ds(k * _L, _L)]
            s = jnp.sum(p)
            acc = jnp.where(iota == l, acc + s, acc)
        out_v[pl.ds(r0, _L)] = acc
        return carry

    lax.fori_loop(0, _BPW // _L, group, 0)
    pltpu.sync_copy(out_v, out_hbm.at[pl.ds(base, _BPW)])


_mf_sc = functools.partial(
    pl.kernel,
    out_type=jax.ShapeDtypeStruct((B,), jnp.float32),
    mesh=plsc.VectorSubcoreMesh(core_axis_name="c", subcore_axis_name="s"),
    compiler_params=pltpu.CompilerParams(needs_layout_passes=False, use_tc_tiling_on_sc=False),
    scratch_types=[
        pltpu.VMEM((_NCHUNK, _CHUNK), jnp.int32),
        pltpu.VMEM((_NCHUNK, _CHUNK), jnp.int32),
        pltpu.VMEM((_BPW, D), jnp.float32),
        pltpu.VMEM((_BPW, D), jnp.float32),
        pltpu.VMEM((_BPW,), jnp.float32),
        pltpu.VMEM((_BPW,), jnp.float32),
        pltpu.VMEM((_BPW,), jnp.float32),
        pltpu.VMEM((_L,), jnp.float32),
        pltpu.SemaphoreType.DMA,
    ],
)(_mf_body)


def kernel(user_ids, item_ids, user_emb, item_emb, user_bias, item_bias, global_bias):
    uid = user_ids.astype(jnp.int32)
    iid = item_ids.astype(jnp.int32)
    biases = jnp.concatenate([user_bias, item_bias], axis=0).reshape(-1)
    gb = jnp.broadcast_to(global_bias.reshape(()), (_L,))
    return _mf_sc(uid, iid, user_emb, item_emb, biases, gb)

# --- scband reference (transcript-rebuilt; emitter-appended) ---
"""Pipeline reference for scband-matrix-factorization-with-bias-11055245820333 (READ-ONLY COPY).

The authoritative reference and input builder live on the scoring server;
editing this copy changes nothing except your own understanding.
"""

import jax, jax.numpy as jnp
import numpy as np

NUM_USERS = 1000000
NUM_ITEMS = 1000000
EMBED_DIM = 64
BATCH = 16384

def setup_inputs(seed: int = 0) -> dict:
    key = jax.random.key(seed)
    k1, k2, k3, k4, k5, k6 = jax.random.split(key, 6)
    user_ids = jax.random.randint(k1, (BATCH,), 0, NUM_USERS, dtype=jnp.int64 if jax.config.jax_enable_x64 else jnp.int32)
    item_ids = jax.random.randint(k2, (BATCH,), 0, NUM_ITEMS, dtype=jnp.int64 if jax.config.jax_enable_x64 else jnp.int32)
    user_emb = jax.random.normal(k3, (NUM_USERS, EMBED_DIM), dtype=jnp.float32)
    item_emb = jax.random.normal(k4, (NUM_ITEMS, EMBED_DIM), dtype=jnp.float32)
    user_bias = jax.random.normal(k5, (NUM_USERS, 1), dtype=jnp.float32)
    item_bias = jax.random.normal(k6, (NUM_ITEMS, 1), dtype=jnp.float32)
    global_bias = jnp.zeros((1,), dtype=jnp.float32)
    return {
        "user_ids": user_ids,
        "item_ids": item_ids,
        "user_emb": user_emb,
        "item_emb": item_emb,
        "user_bias": user_bias,
        "item_bias": item_bias,
        "global_bias": global_bias,
    }

def reference(user_ids, item_ids, user_emb, item_emb, user_bias, item_bias, global_bias):
    user_vecs = jnp.take(user_emb, user_ids, axis=0)            # [B, D]
    item_vecs = jnp.take(item_emb, item_ids, axis=0)            # [B, D]
    dot_product = (user_vecs * item_vecs).sum(axis=1)           # [B]
    user_b = jnp.take(user_bias, user_ids, axis=0).squeeze()    # [B]
    item_b = jnp.take(item_bias, item_ids, axis=0).squeeze()    # [B]
    return dot_product + user_b + item_b + global_bias

if __name__ == "__main__":
    import jax
    _d = setup_inputs()
    print(jax.jit(kernel)(*tuple(_d.values())))

</pallas_src>

<mosaic_0001>
#map = affine_map<(d0, d1) -> (0)>
#map1 = affine_map<(d0, d1) -> (0, 0)>
module attributes {stable_mosaic.version = 14 : i64} {
  func.func @_mf_body(%arg0: i32, %arg1: i32, %arg2: memref<16384xi32, #tpu.memory_space<hbm>>, %arg3: memref<16384xi32, #tpu.memory_space<hbm>>, %arg4: memref<1000000x64xf32, #tpu.memory_space<hbm>>, %arg5: memref<1000000x64xf32, #tpu.memory_space<hbm>>, %arg6: memref<2000000xf32, #tpu.memory_space<hbm>>, %arg7: memref<16xf32, #tpu.memory_space<hbm>>, %arg8: memref<16384xf32, #tpu.memory_space<hbm>>, %arg9: memref<4x128xi32, #tpu.memory_space<vmem>>, %arg10: memref<4x128xi32, #tpu.memory_space<vmem>>, %arg11: memref<512x64xf32, #tpu.memory_space<vmem>>, %arg12: memref<512x64xf32, #tpu.memory_space<vmem>>, %arg13: memref<512xf32, #tpu.memory_space<vmem>>, %arg14: memref<512xf32, #tpu.memory_space<vmem>>, %arg15: memref<512xf32, #tpu.memory_space<vmem>>, %arg16: memref<16xf32, #tpu.memory_space<vmem>>, %arg17: memref<!tpu.dma_semaphore, #tpu.memory_space<semaphore_mem>>) attributes {dimension_semantics = [#tpu.dimension_semantics<core_parallel>, #tpu.dimension_semantics<subcore_parallel>], iteration_bounds = array<i64: 2, 16>, scalar_prefetch = 0 : i64, scratch_operands = 9 : i64, tpu.core_type = #tpu.core_type<sc_vector_subcore>, window_params = [{transform_indices = #map}, {transform_indices = #map}, {transform_indices = #map1}, {transform_indices = #map1}, {transform_indices = #map}, {transform_indices = #map}, {transform_indices = #map}]} {
    %mul3A = arith.constant 2 : i32
    %mul3A_0 = arith.muli %arg1, %mul3A : i32
    %add3A = arith.addi %mul3A_0, %arg0 : i32
    %mul3A_1 = arith.constant 512 : i32
    %mul3A_2 = arith.muli %add3A, %mul3A_1 : i32
    %add3A_3 = arith.constant 0 : i32
    %add3A_4 = arith.addi %mul3A_2, %add3A_3 : i32
    %run_scoped3A = arith.constant 0 : i32
    "tpu.region"() ({
      %run_scoped3A_350 = tpu.sem_alloc : memref<!tpu.dma_semaphore, #tpu.memory_space<semaphore_mem>>
      %dma_start3A_351 = arith.constant 0 : i32
      %dma_start3A_352 = tpu.memref_slice %arg9[%run_scoped3A, %dma_start3A_351] : memref<4x128xi32, #tpu.memory_space<vmem>> -> memref<1x128xi32, #tpu.memory_space<vmem>>
      %dma_start3A_353 = tpu.memref_squeeze %dma_start3A_352 : memref<1x128xi32, #tpu.memory_space<vmem>> -> memref<128xi32, #tpu.memory_space<vmem>>
      %dma_start3A_354 = tpu.memref_slice %arg2[%add3A_4] : memref<16384xi32, #tpu.memory_space<hbm>> -> memref<128xi32, #tpu.memory_space<hbm>>
      %dma_start3A_355 = arith.constant 0 : i32
      %dma_start3A_356 = tpu.memref_slice %arg9[%run_scoped3A, %dma_start3A_355] : memref<4x128xi32, #tpu.memory_space<vmem>> -> memref<1x128xi32, #tpu.memory_space<vmem>>
      %dma_start3A_357 = tpu.memref_squeeze %dma_start3A_356 : memref<1x128xi32, #tpu.memory_space<vmem>> -> memref<128xi32, #tpu.memory_space<vmem>>
      %dma_start3A_358 = tpu.memref_slice %arg2[%add3A_4] : memref<16384xi32, #tpu.memory_space<hbm>> -> memref<128xi32, #tpu.memory_space<hbm>>
      tpu.enqueue_dma source(%dma_start3A_358 : memref<128xi32, #tpu.memory_space<hbm>>) target(%dma_start3A_357 : memref<128xi32, #tpu.memory_space<vmem>>) target_semaphore(%run_scoped3A_350 : memref<!tpu.dma_semaphore, #tpu.memory_space<semaphore_mem>>)
      %dma_wait3A_359 = arith.constant 0 : i32
      %dma_wait3A_360 = tpu.memref_slice %arg9[%run_scoped3A, %dma_wait3A_359] : memref<4x128xi32, #tpu.memory_space<vmem>> -> memref<1x128xi32, #tpu.memory_space<vmem>>
      %dma_wait3A_361 = tpu.memref_squeeze %dma_wait3A_360 : memref<1x128xi32, #tpu.memory_space<vmem>> -> memref<128xi32, #tpu.memory_space<vmem>>
      %dma_wait3A_362 = tpu.memref_slice %arg2[%add3A_4] : memref<16384xi32, #tpu.memory_space<hbm>> -> memref<128xi32, #tpu.memory_space<hbm>>
      %dma_wait3A_363 = arith.constant 0 : i32
      %dma_wait3A_364 = tpu.memref_slice %arg9[%run_scoped3A, %dma_wait3A_363] : memref<4x128xi32, #tpu.memory_space<vmem>> -> memref<1x128xi32, #tpu.memory_space<vmem>>
      %dma_wait3A_365 = tpu.memref_squeeze %dma_wait3A_364 : memref<1x128xi32, #tpu.memory_space<vmem>> -> memref<128xi32, #tpu.memory_space<vmem>>
      %dma_wait3A_366 = tpu.memref_slice %arg2[%add3A_4] : memref<16384xi32, #tpu.memory_space<hbm>> -> memref<128xi32, #tpu.memory_space<hbm>>
      tpu.wait_dma2 semaphore(%run_scoped3A_350 : memref<!tpu.dma_semaphore, #tpu.memory_space<semaphore_mem>>) src(%dma_wait3A_366 : memref<128xi32, #tpu.memory_space<hbm>>) dst(%dma_wait3A_365 : memref<128xi32, #tpu.memory_space<vmem>>)
      tpu.yield
    }) : () -> ()
    %add3A_5 = arith.constant 0 : i32
    %add3A_6 = arith.addi %mul3A_2, %add3A_5 : i32
    %run_scoped3A_7 = arith.constant 0 : i32
    "tpu.region"() ({
      %run_scoped3A_350 = tpu.sem_alloc : memref<!tpu.dma_semaphore, #tpu.memory_space<semaphore_mem>>
      %dma_start3A_351 = arith.constant 0 : i32
      %dma_start3A_352 = tpu.memref_slice %arg10[%run_scoped3A_7, %dma_start3A_351] : memref<4x128xi32, #tpu.memory_space<vmem>> -> memref<1x128xi32, #tpu.memory_space<vmem>>
      %dma_start3A_353 = tpu.memref_squeeze %dma_start3A_352 : memref<1x128xi32, #tpu.memory_space<vmem>> -> memref<128xi32, #tpu.memory_space<vmem>>
      %dma_start3A_354 = tpu.memref_slice %arg3[%add3A_6] : memref<16384xi32, #tpu.memory_space<hbm>> -> memref<128xi32, #tpu.memory_space<hbm>>
      %dma_start3A_355 = arith.constant 0 : i32
      %dma_start3A_356 = tpu.memref_slice %arg10[%run_scoped3A_7, %dma_start3A_355] : memref<4x128xi32, #tpu.memory_space<vmem>> -> memref<1x128xi32, #tpu.memory_space<vmem>>
      %dma_start3A_357 = tpu.memref_squeeze %dma_start3A_356 : memref<1x128xi32, #tpu.memory_space<vmem>> -> memref<128xi32, #tpu.memory_space<vmem>>
      %dma_start3A_358 = tpu.memref_slice %arg3[%add3A_6] : memref<16384xi32, #tpu.memory_space<hbm>> -> memref<128xi32, #tpu.memory_space<hbm>>
      tpu.enqueue_dma source(%dma_start3A_358 : memref<128xi32, #tpu.memory_space<hbm>>) target(%dma_start3A_357 : memref<128xi32, #tpu.memory_space<vmem>>) target_semaphore(%run_scoped3A_350 : memref<!tpu.dma_semaphore, #tpu.memory_space<semaphore_mem>>)
      %dma_wait3A_359 = arith.constant 0 : i32
      %dma_wait3A_360 = tpu.memref_slice %arg10[%run_scoped3A_7, %dma_wait3A_359] : memref<4x128xi32, #tpu.memory_space<vmem>> -> memref<1x128xi32, #tpu.memory_space<vmem>>
      %dma_wait3A_361 = tpu.memref_squeeze %dma_wait3A_360 : memref<1x128xi32, #tpu.memory_space<vmem>> -> memref<128xi32, #tpu.memory_space<vmem>>
      %dma_wait3A_362 = tpu.memref_slice %arg3[%add3A_6] : memref<16384xi32, #tpu.memory_space<hbm>> -> memref<128xi32, #tpu.memory_space<hbm>>
      %dma_wait3A_363 = arith.constant 0 : i32
      %dma_wait3A_364 = tpu.memref_slice %arg10[%run_scoped3A_7, %dma_wait3A_363] : memref<4x128xi32, #tpu.memory_space<vmem>> -> memref<1x128xi32, #tpu.memory_space<vmem>>
      %dma_wait3A_365 = tpu.memref_squeeze %dma_wait3A_364 : memref<1x128xi32, #tpu.memory_space<vmem>> -> memref<128xi32, #tpu.memory_space<vmem>>
      %dma_wait3A_366 = tpu.memref_slice %arg3[%add3A_6] : memref<16384xi32, #tpu.memory_space<hbm>> -> memref<128xi32, #tpu.memory_space<hbm>>
      tpu.wait_dma2 semaphore(%run_scoped3A_350 : memref<!tpu.dma_semaphore, #tpu.memory_space<semaphore_mem>>) src(%dma_wait3A_366 : memref<128xi32, #tpu.memory_space<hbm>>) dst(%dma_wait3A_365 : memref<128xi32, #tpu.memory_space<vmem>>)
      tpu.yield
    }) : () -> ()
    %add3A_8 = arith.constant 128 : i32
    %add3A_9 = arith.addi %mul3A_2, %add3A_8 : i32
    %run_scoped3A_10 = arith.constant 1 : i32
    "tpu.region"() ({
      %run_scoped3A_350 = tpu.sem_alloc : memref<!tpu.dma_semaphore, #tpu.memory_space<semaphore_mem>>
      %dma_start3A_351 = arith.constant 0 : i32
      %dma_start3A_352 = tpu.memref_slice %arg9[%run_scoped3A_10, %dma_start3A_351] : memref<4x128xi32, #tpu.memory_space<vmem>> -> memref<1x128xi32, #tpu.memory_space<vmem>>
      %dma_start3A_353 = tpu.memref_squeeze %dma_start3A_352 : memref<1x128xi32, #tpu.memory_space<vmem>> -> memref<128xi32, #tpu.memory_space<vmem>>
      %dma_start3A_354 = tpu.memref_slice %arg2[%add3A_9] : memref<16384xi32, #tpu.memory_space<hbm>> -> memref<128xi32, #tpu.memory_space<hbm>>
      %dma_start3A_355 = arith.constant 0 : i32
      %dma_start3A_356 = tpu.memref_slice %arg9[%run_scoped3A_10, %dma_start3A_355] : memref<4x128xi32, #tpu.memory_space<vmem>> -> memref<1x128xi32, #tpu.memory_space<vmem>>
      %dma_start3A_357 = tpu.memref_squeeze %dma_start3A_356 : memref<1x128xi32, #tpu.memory_space<vmem>> -> memref<128xi32, #tpu.memory_space<vmem>>
      %dma_start3A_358 = tpu.memref_slice %arg2[%add3A_9] : memref<16384xi32, #tpu.memory_space<hbm>> -> memref<128xi32, #tpu.memory_space<hbm>>
      tpu.enqueue_dma source(%dma_start3A_358 : memref<128xi32, #tpu.memory_space<hbm>>) target(%dma_start3A_357 : memref<128xi32, #tpu.memory_space<vmem>>) target_semaphore(%run_scoped3A_350 : memref<!tpu.dma_semaphore, #tpu.memory_space<semaphore_mem>>)
      %dma_wait3A_359 = arith.constant 0 : i32
      %dma_wait3A_360 = tpu.memref_slice %arg9[%run_scoped3A_10, %dma_wait3A_359] : memref<4x128xi32, #tpu.memory_space<vmem>> -> memref<1x128xi32, #tpu.memory_space<vmem>>
      %dma_wait3A_361 = tpu.memref_squeeze %dma_wait3A_360 : memref<1x128xi32, #tpu.memory_space<vmem>> -> memref<128xi32, #tpu.memory_space<vmem>>
      %dma_wait3A_362 = tpu.memref_slice %arg2[%add3A_9] : memref<16384xi32, #tpu.memory_space<hbm>> -> memref<128xi32, #tpu.memory_space<hbm>>
      %dma_wait3A_363 = arith.constant 0 : i32
      %dma_wait3A_364 = tpu.memref_slice %arg9[%run_scoped3A_10, %dma_wait3A_363] : memref<4x128xi32, #tpu.memory_space<vmem>> -> memref<1x128xi32, #tpu.memory_space<vmem>>
      %dma_wait3A_365 = tpu.memref_squeeze %dma_wait3A_364 : memref<1x128xi32, #tpu.memory_space<vmem>> -> memref<128xi32, #tpu.memory_space<vmem>>
      %dma_wait3A_366 = tpu.memref_slice %arg2[%add3A_9] : memref<16384xi32, #tpu.memory_space<hbm>> -> memref<128xi32, #tpu.memory_space<hbm>>
      tpu.wait_dma2 semaphore(%run_scoped3A_350 : memref<!tpu.dma_semaphore, #tpu.memory_space<semaphore_mem>>) src(%dma_wait3A_366 : memref<128xi32, #tpu.memory_space<hbm>>) dst(%dma_wait3A_365 : memref<128xi32, #tpu.memory_space<vmem>>)
      tpu.yield
    }) : () -> ()
    %add3A_11 = arith.constant 128 : i32
    %add3A_12 = arith.addi %mul3A_2, %add3A_11 : i32
    %run_scoped3A_13 = arith.constant 1 : i32
    "tpu.region"() ({
      %run_scoped3A_350 = tpu.sem_alloc : memref<!tpu.dma_semaphore, #tpu.memory_space<semaphore_mem>>
      %dma_start3A_351 = arith.constant 0 : i32
      %dma_start3A_352 = tpu.memref_slice %arg10[%run_scoped3A_13, %dma_start3A_351] : memref<4x128xi32, #tpu.memory_space<vmem>> -> memref<1x128xi32, #tpu.memory_space<vmem>>
      %dma_start3A_353 = tpu.memref_squeeze %dma_start3A_352 : memref<1x128xi32, #tpu.memory_space<vmem>> -> memref<128xi32, #tpu.memory_space<vmem>>
      %dma_start3A_354 = tpu.memref_slice %arg3[%add3A_12] : memref<16384xi32, #tpu.memory_space<hbm>> -> memref<128xi32, #tpu.memory_space<hbm>>
      %dma_start3A_355 = arith.constant 0 : i32
      %dma_start3A_356 = tpu.memref_slice %arg10[%run_scoped3A_13, %dma_start3A_355] : memref<4x128xi32, #tpu.memory_space<vmem>> -> memref<1x128xi32, #tpu.memory_space<vmem>>
      %dma_start3A_357 = tpu.memref_squeeze %dma_start3A_356 : memref<1x128xi32, #tpu.memory_space<vmem>> -> memref<128xi32, #tpu.memory_space<vmem>>
      %dma_start3A_358 = tpu.memref_slice %arg3[%add3A_12] : memref<16384xi32, #tpu.memory_space<hbm>> -> memref<128xi32, #tpu.memory_space<hbm>>
      tpu.enqueue_dma source(%dma_start3A_358 : memref<128xi32, #tpu.memory_space<hbm>>) target(%dma_start3A_357 : memref<128xi32, #tpu.memory_space<vmem>>) target_semaphore(%run_scoped3A_350 : memref<!tpu.dma_semaphore, #tpu.memory_space<semaphore_mem>>)
      %dma_wait3A_359 = arith.constant 0 : i32
      %dma_wait3A_360 = tpu.memref_slice %arg10[%run_scoped3A_13, %dma_wait3A_359] : memref<4x128xi32, #tpu.memory_space<vmem>> -> memref<1x128xi32, #tpu.memory_space<vmem>>
      %dma_wait3A_361 = tpu.memref_squeeze %dma_wait3A_360 : memref<1x128xi32, #tpu.memory_space<vmem>> -> memref<128xi32, #tpu.memory_space<vmem>>
      %dma_wait3A_362 = tpu.memref_slice %arg3[%add3A_12] : memref<16384xi32, #tpu.memory_space<hbm>> -> memref<128xi32, #tpu.memory_space<hbm>>
      %dma_wait3A_363 = arith.constant 0 : i32
      %dma_wait3A_364 = tpu.memref_slice %arg10[%run_scoped3A_13, %dma_wait3A_363] : memref<4x128xi32, #tpu.memory_space<vmem>> -> memref<1x128xi32, #tpu.memory_space<vmem>>
      %dma_wait3A_365 = tpu.memref_squeeze %dma_wait3A_364 : memref<1x128xi32, #tpu.memory_space<vmem>> -> memref<128xi32, #tpu.memory_space<vmem>>
      %dma_wait3A_366 = tpu.memref_slice %arg3[%add3A_12] : memref<16384xi32, #tpu.memory_space<hbm>> -> memref<128xi32, #tpu.memory_space<hbm>>
      tpu.wait_dma2 semaphore(%run_scoped3A_350 : memref<!tpu.dma_semaphore, #tpu.memory_space<semaphore_mem>>) src(%dma_wait3A_366 : memref<128xi32, #tpu.memory_space<hbm>>) dst(%dma_wait3A_365 : memref<128xi32, #tpu.memory_space<vmem>>)
      tpu.yield
    }) : () -> ()
    %add3A_14 = arith.constant 256 : i32
    %add3A_15 = arith.addi %mul3A_2, %add3A_14 : i32
    %run_scoped3A_16 = arith.constant 2 : i32
    "tpu.region"() ({
      %run_scoped3A_350 = tpu.sem_alloc : memref<!tpu.dma_semaphore, #tpu.memory_space<semaphore_mem>>
      %dma_start3A_351 = arith.constant 0 : i32
      %dma_start3A_352 = tpu.memref_slice %arg9[%run_scoped3A_16, %dma_start3A_351] : memref<4x128xi32, #tpu.memory_space<vmem>> -> memref<1x128xi32, #tpu.memory_space<vmem>>
      %dma_start3A_353 = tpu.memref_squeeze %dma_start3A_352 : memref<1x128xi32, #tpu.memory_space<vmem>> -> memref<128xi32, #tpu.memory_space<vmem>>
      %dma_start3A_354 = tpu.memref_slice %arg2[%add3A_15] : memref<16384xi32, #tpu.memory_space<hbm>> -> memref<128xi32, #tpu.memory_space<hbm>>
      %dma_start3A_355 = arith.constant 0 : i32
      %dma_start3A_356 = tpu.memref_slice %arg9[%run_scoped3A_16, %dma_start3A_355] : memref<4x128xi32, #tpu.memory_space<vmem>> -> memref<1x128xi32, #tpu.memory_space<vmem>>
      %dma_start3A_357 = tpu.memref_squeeze %dma_start3A_356 : memref<1x128xi32, #tpu.memory_space<vmem>> -> memref<128xi32, #tpu.memory_space<vmem>>
      %dma_start3A_358 = tpu.memref_slice %arg2[%add3A_15] : memref<16384xi32, #tpu.memory_space<hbm>> -> memref<128xi32, #tpu.memory_space<hbm>>
      tpu.enqueue_dma source(%dma_start3A_358 : memref<128xi32, #tpu.memory_space<hbm>>) target(%dma_start3A_357 : memref<128xi32, #tpu.memory_space<vmem>>) target_semaphore(%run_scoped3A_350 : memref<!tpu.dma_semaphore, #tpu.memory_space<semaphore_mem>>)
      %dma_wait3A_359 = arith.constant 0 : i32
      %dma_wait3A_360 = tpu.memref_slice %arg9[%run_scoped3A_16, %dma_wait3A_359] : memref<4x128xi32, #tpu.memory_space<vmem>> -> memref<1x128xi32, #tpu.memory_space<vmem>>
      %dma_wait3A_361 = tpu.memref_squeeze %dma_wait3A_360 : memref<1x128xi32, #tpu.memory_space<vmem>> -> memref<128xi32, #tpu.memory_space<vmem>>
      %dma_wait3A_362 = tpu.memref_slice %arg2[%add3A_15] : memref<16384xi32, #tpu.memory_space<hbm>> -> memref<128xi32, #tpu.memory_space<hbm>>
      %dma_wait3A_363 = arith.constant 0 : i32
      %dma_wait3A_364 = tpu.memref_slice %arg9[%run_scoped3A_16, %dma_wait3A_363] : memref<4x128xi32, #tpu.memory_space<vmem>> -> memref<1x128xi32, #tpu.memory_space<vmem>>
      %dma_wait3A_365 = tpu.memref_squeeze %dma_wait3A_364 : memref<1x128xi32, #tpu.memory_space<vmem>> -> memref<128xi32, #tpu.memory_space<vmem>>
      %dma_wait3A_366 = tpu.memref_slice %arg2[%add3A_15] : memref<16384xi32, #tpu.memory_space<hbm>> -> memref<128xi32, #tpu.memory_space<hbm>>
      tpu.wait_dma2 semaphore(%run_scoped3A_350 : memref<!tpu.dma_semaphore, #tpu.memory_space<semaphore_mem>>) src(%dma_wait3A_366 : memref<128xi32, #tpu.memory_space<hbm>>) dst(%dma_wait3A_365 : memref<128xi32, #tpu.memory_space<vmem>>)
      tpu.yield
    }) : () -> ()
    %add3A_17 = arith.constant 256 : i32
    %add3A_18 = arith.addi %mul3A_2, %add3A_17 : i32
    %run_scoped3A_19 = arith.constant 2 : i32
    "tpu.region"() ({
      %run_scoped3A_350 = tpu.sem_alloc : memref<!tpu.dma_semaphore, #tpu.memory_space<semaphore_mem>>
      %dma_start3A_351 = arith.constant 0 : i32
      %dma_start3A_352 = tpu.memref_slice %arg10[%run_scoped3A_19, %dma_start3A_351] : memref<4x128xi32, #tpu.memory_space<vmem>> -> memref<1x128xi32, #tpu.memory_space<vmem>>
      %dma_start3A_353 = tpu.memref_squeeze %dma_start3A_352 : memref<1x128xi32, #tpu.memory_space<vmem>> -> memref<128xi32, #tpu.memory_space<vmem>>
      %dma_start3A_354 = tpu.memref_slice %arg3[%add3A_18] : memref<16384xi32, #tpu.memory_space<hbm>> -> memref<128xi32, #tpu.memory_space<hbm>>
      %dma_start3A_355 = arith.constant 0 : i32
      %dma_start3A_356 = tpu.memref_slice %arg10[%run_scoped3A_19, %dma_start3A_355] : memref<4x128xi32, #tpu.memory_space<vmem>> -> memref<1x128xi32, #tpu.memory_space<vmem>>
      %dma_start3A_357 = tpu.memref_squeeze %dma_start3A_356 : memref<1x128xi32, #tpu.memory_space<vmem>> -> memref<128xi32, #tpu.memory_space<vmem>>
      %dma_start3A_358 = tpu.memref_slice %arg3[%add3A_18] : memref<16384xi32, #tpu.memory_space<hbm>> -> memref<128xi32, #tpu.memory_space<hbm>>
      tpu.enqueue_dma source(%dma_start3A_358 : memref<128xi32, #tpu.memory_space<hbm>>) target(%dma_start3A_357 : memref<128xi32, #tpu.memory_space<vmem>>) target_semaphore(%run_scoped3A_350 : memref<!tpu.dma_semaphore, #tpu.memory_space<semaphore_mem>>)
      %dma_wait3A_359 = arith.constant 0 : i32
      %dma_wait3A_360 = tpu.memref_slice %arg10[%run_scoped3A_19, %dma_wait3A_359] : memref<4x128xi32, #tpu.memory_space<vmem>> -> memref<1x128xi32, #tpu.memory_space<vmem>>
      %dma_wait3A_361 = tpu.memref_squeeze %dma_wait3A_360 : memref<1x128xi32, #tpu.memory_space<vmem>> -> memref<128xi32, #tpu.memory_space<vmem>>
      %dma_wait3A_362 = tpu.memref_slice %arg3[%add3A_18] : memref<16384xi32, #tpu.memory_space<hbm>> -> memref<128xi32, #tpu.memory_space<hbm>>
      %dma_wait3A_363 = arith.constant 0 : i32
      %dma_wait3A_364 = tpu.memref_slice %arg10[%run_scoped3A_19, %dma_wait3A_363] : memref<4x128xi32, #tpu.memory_space<vmem>> -> memref<1x128xi32, #tpu.memory_space<vmem>>
      %dma_wait3A_365 = tpu.memref_squeeze %dma_wait3A_364 : memref<1x128xi32, #tpu.memory_space<vmem>> -> memref<128xi32, #tpu.memory_space<vmem>>
      %dma_wait3A_366 = tpu.memref_slice %arg3[%add3A_18] : memref<16384xi32, #tpu.memory_space<hbm>> -> memref<128xi32, #tpu.memory_space<hbm>>
      tpu.wait_dma2 semaphore(%run_scoped3A_350 : memref<!tpu.dma_semaphore, #tpu.memory_space<semaphore_mem>>) src(%dma_wait3A_366 : memref<128xi32, #tpu.memory_space<hbm>>) dst(%dma_wait3A_365 : memref<128xi32, #tpu.memory_space<vmem>>)
      tpu.yield
    }) : () -> ()
    %add3A_20 = arith.constant 384 : i32
    %add3A_21 = arith.addi %mul3A_2, %add3A_20 : i32
    %run_scoped3A_22 = arith.constant 3 : i32
    "tpu.region"() ({
      %run_scoped3A_350 = tpu.sem_alloc : memref<!tpu.dma_semaphore, #tpu.memory_space<semaphore_mem>>
      %dma_start3A_351 = arith.constant 0 : i32
      %dma_start3A_352 = tpu.memref_slice %arg9[%run_scoped3A_22, %dma_start3A_351] : memref<4x128xi32, #tpu.memory_space<vmem>> -> memref<1x128xi32, #tpu.memory_space<vmem>>
      %dma_start3A_353 = tpu.memref_squeeze %dma_start3A_352 : memref<1x128xi32, #tpu.memory_space<vmem>> -> memref<128xi32, #tpu.memory_space<vmem>>
      %dma_start3A_354 = tpu.memref_slice %arg2[%add3A_21] : memref<16384xi32, #tpu.memory_space<hbm>> -> memref<128xi32, #tpu.memory_space<hbm>>
      %dma_start3A_355 = arith.constant 0 : i32
      %dma_start3A_356 = tpu.memref_slice %arg9[%run_scoped3A_22, %dma_start3A_355] : memref<4x128xi32, #tpu.memory_space<vmem>> -> memref<1x128xi32, #tpu.memory_space<vmem>>
      %dma_start3A_357 = tpu.memref_squeeze %dma_start3A_356 : memref<1x128xi32, #tpu.memory_space<vmem>> -> memref<128xi32, #tpu.memory_space<vmem>>
      %dma_start3A_358 = tpu.memref_slice %arg2[%add3A_21] : memref<16384xi32, #tpu.memory_space<hbm>> -> memref<128xi32, #tpu.memory_space<hbm>>
      tpu.enqueue_dma source(%dma_start3A_358 : memref<128xi32, #tpu.memory_space<hbm>>) target(%dma_start3A_357 : memref<128xi32, #tpu.memory_space<vmem>>) target_semaphore(%run_scoped3A_350 : memref<!tpu.dma_semaphore, #tpu.memory_space<semaphore_mem>>)
      %dma_wait3A_359 = arith.constant 0 : i32
      %dma_wait3A_360 = tpu.memref_slice %arg9[%run_scoped3A_22, %dma_wait3A_359] : memref<4x128xi32, #tpu.memory_space<vmem>> -> memref<1x128xi32, #tpu.memory_space<vmem>>
      %dma_wait3A_361 = tpu.memref_squeeze %dma_wait3A_360 : memref<1x128xi32, #tpu.memory_space<vmem>> -> memref<128xi32, #tpu.memory_space<vmem>>
      %dma_wait3A_362 = tpu.memref_slice %arg2[%add3A_21] : memref<16384xi32, #tpu.memory_space<hbm>> -> memref<128xi32, #tpu.memory_space<hbm>>
      %dma_wait3A_363 = arith.constant 0 : i32
      %dma_wait3A_364 = tpu.memref_slice %arg9[%run_scoped3A_22, %dma_wait3A_363] : memref<4x128xi32, #tpu.memory_space<vmem>> -> memref<1x128xi32, #tpu.memory_space<vmem>>
      %dma_wait3A_365 = tpu.memref_squeeze %dma_wait3A_364 : memref<1x128xi32, #tpu.memory_space<vmem>> -> memref<128xi32, #tpu.memory_space<vmem>>
      %dma_wait3A_366 = tpu.memref_slice %arg2[%add3A_21] : memref<16384xi32, #tpu.memory_space<hbm>> -> memref<128xi32, #tpu.memory_space<hbm>>
      tpu.wait_dma2 semaphore(%run_scoped3A_350 : memref<!tpu.dma_semaphore, #tpu.memory_space<semaphore_mem>>) src(%dma_wait3A_366 : memref<128xi32, #tpu.memory_space<hbm>>) dst(%dma_wait3A_365 : memref<128xi32, #tpu.memory_space<vmem>>)
      tpu.yield
    }) : () -> ()
    %add3A_23 = arith.constant 384 : i32
    %add3A_24 = arith.addi %mul3A_2, %add3A_23 : i32
    %run_scoped3A_25 = arith.constant 3 : i32
    "tpu.region"() ({
      %run_scoped3A_350 = tpu.sem_alloc : memref<!tpu.dma_semaphore, #tpu.memory_space<semaphore_mem>>
      %dma_start3A_351 = arith.constant 0 : i32
      %dma_start3A_352 = tpu.memref_slice %arg10[%run_scoped3A_25, %dma_start3A_351] : memref<4x128xi32, #tpu.memory_space<vmem>> -> memref<1x128xi32, #tpu.memory_space<vmem>>
      %dma_start3A_353 = tpu.memref_squeeze %dma_start3A_352 : memref<1x128xi32, #tpu.memory_space<vmem>> -> memref<128xi32, #tpu.memory_space<vmem>>
      %dma_start3A_354 = tpu.memref_slice %arg3[%add3A_24] : memref<16384xi32, #tpu.memory_space<hbm>> -> memref<128xi32, #tpu.memory_space<hbm>>
      %dma_start3A_355 = arith.constant 0 : i32
      %dma_start3A_356 = tpu.memref_slice %arg10[%run_scoped3A_25, %dma_start3A_355] : memref<4x128xi32, #tpu.memory_space<vmem>> -> memref<1x128xi32, #tpu.memory_space<vmem>>
      %dma_start3A_357 = tpu.memref_squeeze %dma_start3A_356 : memref<1x128xi32, #tpu.memory_space<vmem>> -> memref<128xi32, #tpu.memory_space<vmem>>
      %dma_start3A_358 = tpu.memref_slice %arg3[%add3A_24] : memref<16384xi32, #tpu.memory_space<hbm>> -> memref<128xi32, #tpu.memory_space<hbm>>
      tpu.enqueue_dma source(%dma_start3A_358 : memref<128xi32, #tpu.memory_space<hbm>>) target(%dma_start3A_357 : memref<128xi32, #tpu.memory_space<vmem>>) target_semaphore(%run_scoped3A_350 : memref<!tpu.dma_semaphore, #tpu.memory_space<semaphore_mem>>)
      %dma_wait3A_359 = arith.constant 0 : i32
      %dma_wait3A_360 = tpu.memref_slice %arg10[%run_scoped3A_25, %dma_wait3A_359] : memref<4x128xi32, #tpu.memory_space<vmem>> -> memref<1x128xi32, #tpu.memory_space<vmem>>
      %dma_wait3A_361 = tpu.memref_squeeze %dma_wait3A_360 : memref<1x128xi32, #tpu.memory_space<vmem>> -> memref<128xi32, #tpu.memory_space<vmem>>
      %dma_wait3A_362 = tpu.memref_slice %arg3[%add3A_24] : memref<16384xi32, #tpu.memory_space<hbm>> -> memref<128xi32, #tpu.memory_space<hbm>>
      %dma_wait3A_363 = arith.constant 0 : i32
      %dma_wait3A_364 = tpu.memref_slice %arg10[%run_scoped3A_25, %dma_wait3A_363] : memref<4x128xi32, #tpu.memory_space<vmem>> -> memref<1x128xi32, #tpu.memory_space<vmem>>
      %dma_wait3A_365 = tpu.memref_squeeze %dma_wait3A_364 : memref<1x128xi32, #tpu.memory_space<vmem>> -> memref<128xi32, #tpu.memory_space<vmem>>
      %dma_wait3A_366 = tpu.memref_slice %arg3[%add3A_24] : memref<16384xi32, #tpu.memory_space<hbm>> -> memref<128xi32, #tpu.memory_space<hbm>>
      tpu.wait_dma2 semaphore(%run_scoped3A_350 : memref<!tpu.dma_semaphore, #tpu.memory_space<semaphore_mem>>) src(%dma_wait3A_366 : memref<128xi32, #tpu.memory_space<hbm>>) dst(%dma_wait3A_365 : memref<128xi32, #tpu.memory_space<vmem>>)
      tpu.yield
    }) : () -> ()
    "tpu.region"() ({
      %run_scoped3A_350 = tpu.sem_alloc : memref<!tpu.dma_semaphore, #tpu.memory_space<semaphore_mem>>
      tpu.enqueue_dma source(%arg7 : memref<16xf32, #tpu.memory_space<hbm>>) target(%arg16 : memref<16xf32, #tpu.memory_space<vmem>>) target_semaphore(%run_scoped3A_350 : memref<!tpu.dma_semaphore, #tpu.memory_space<semaphore_mem>>)
      tpu.wait_dma2 semaphore(%run_scoped3A_350 : memref<!tpu.dma_semaphore, #tpu.memory_space<semaphore_mem>>) src(%arg7 : memref<16xf32, #tpu.memory_space<hbm>>) dst(%arg16 : memref<16xf32, #tpu.memory_space<vmem>>)
      tpu.yield
    }) : () -> ()
    %dma_start3A = arith.constant 0 : i32
    %dma_start3A_26 = arith.constant 0 : i32
    %dma_start3A_27 = arith.constant 0 : i32
    %dma_start3A_28 = tpu.memref_slice %arg11[%dma_start3A_26, %dma_start3A_27] : memref<512x64xf32, #tpu.memory_space<vmem>> -> memref<128x64xf32, #tpu.memory_space<vmem>>
    %dma_start3A_29 = arith.constant 0 : i32
    %dma_start3A_30 = tpu.memref_slice %arg9[%dma_start3A, %dma_start3A_29] : memref<4x128xi32, #tpu.memory_space<vmem>> -> memref<1x128xi32, #tpu.memory_space<vmem>>
    %dma_start3A_31 = tpu.memref_squeeze %dma_start3A_30 : memref<1x128xi32, #tpu.memory_space<vmem>> -> memref<128xi32, #tpu.memory_space<vmem>>
    %dma_start3A_32 = arith.constant 0 : i32
    %dma_start3A_33 = arith.constant 0 : i32
    %dma_start3A_34 = tpu.memref_slice %arg4[%dma_start3A_32, %dma_start3A_33] : memref<1000000x64xf32, #tpu.memory_space<hbm>> -> memref<1000000x64xf32, #tpu.memory_space<hbm>>
    tpu.enqueue_indirect_dma source(%dma_start3A_34 : memref<1000000x64xf32, #tpu.memory_space<hbm>>) target(%dma_start3A_28 : memref<128x64xf32, #tpu.memory_space<vmem>>) offsets(%dma_start3A_31 : memref<128xi32, #tpu.memory_space<vmem>>) semaphore(%arg17 : memref<!tpu.dma_semaphore, #tpu.memory_space<semaphore_mem>>)
    %dma_start3A_35 = arith.constant 0 : i32
    %dma_start3A_36 = arith.constant 0 : i32
    %dma_start3A_37 = arith.constant 0 : i32
    %dma_start3A_38 = tpu.memref_slice %arg12[%dma_start3A_36, %dma_start3A_37] : memref<512x64xf32, #tpu.memory_space<vmem>> -> memref<128x64xf32, #tpu.memory_space<vmem>>
    %dma_start3A_39 = arith.constant 0 : i32
    %dma_start3A_40 = tpu.memref_slice %arg10[%dma_start3A_35, %dma_start3A_39] : memref<4x128xi32, #tpu.memory_space<vmem>> -> memref<1x128xi32, #tpu.memory_space<vmem>>
    %dma_start3A_41 = tpu.memref_squeeze %dma_start3A_40 : memref<1x128xi32, #tpu.memory_space<vmem>> -> memref<128xi32, #tpu.memory_space<vmem>>
    %dma_start3A_42 = arith.constant 0 : i32
    %dma_start3A_43 = arith.constant 0 : i32
    %dma_start3A_44 = tpu.memref_slice %arg5[%dma_start3A_42, %dma_start3A_43] : memref<1000000x64xf32, #tpu.memory_space<hbm>> -> memref<1000000x64xf32, #tpu.memory_space<hbm>>
    tpu.enqueue_indirect_dma source(%dma_start3A_44 : memref<1000000x64xf32, #tpu.memory_space<hbm>>) target(%dma_start3A_38 : memref<128x64xf32, #tpu.memory_space<vmem>>) offsets(%dma_start3A_41 : memref<128xi32, #tpu.memory_space<vmem>>) semaphore(%arg17 : memref<!tpu.dma_semaphore, #tpu.memory_space<semaphore_mem>>)
    %dma_start3A_45 = arith.constant 0 : i32
    %dma_start3A_46 = arith.constant 0 : i32
    %dma_start3A_47 = tpu.memref_slice %arg13[%dma_start3A_46] : memref<512xf32, #tpu.memory_space<vmem>> -> memref<128xf32, #tpu.memory_space<vmem>>
    %dma_start3A_48 = arith.constant 0 : i32
    %dma_start3A_49 = tpu.memref_slice %arg9[%dma_start3A_45, %dma_start3A_48] : memref<4x128xi32, #tpu.memory_space<vmem>> -> memref<1x128xi32, #tpu.memory_space<vmem>>
    %dma_start3A_50 = tpu.memref_squeeze %dma_start3A_49 : memref<1x128xi32, #tpu.memory_space<vmem>> -> memref<128xi32, #tpu.memory_space<vmem>>
    %dma_start3A_51 = arith.constant 0 : i32
    %dma_start3A_52 = tpu.memref_slice %arg6[%dma_start3A_51] : memref<2000000xf32, #tpu.memory_space<hbm>> -> memref<1000000xf32, #tpu.memory_space<hbm>>
    %dma_start3A_53 = arith.constant 0 : i32
    %dma_start3A_54 = tpu.memref_slice %dma_start3A_52[%dma_start3A_53] : memref<1000000xf32, #tpu.memory_space<hbm>> -> memref<1000000xf32, #tpu.memory_space<hbm>>
    tpu.enqueue_indirect_dma source(%dma_start3A_54 : memref<1000000xf32, #tpu.memory_space<hbm>>) target(%dma_start3A_47 : memref<128xf32, #tpu.memory_space<vmem>>) offsets(%dma_start3A_50 : memref<128xi32, #tpu.memory_space<vmem>>) semaphore(%arg17 : memref<!tpu.dma_semaphore, #tpu.memory_space<semaphore_mem>>)
    %dma_start3A_55 = arith.constant 0 : i32
    %dma_start3A_56 = arith.constant 0 : i32
    %dma_start3A_57 = tpu.memref_slice %arg14[%dma_start3A_56] : memref<512xf32, #tpu.memory_space<vmem>> -> memref<128xf32, #tpu.memory_space<vmem>>
    %dma_start3A_58 = arith.constant 0 : i32
    %dma_start3A_59 = tpu.memref_slice %arg10[%dma_start3A_55, %dma_start3A_58] : memref<4x128xi32, #tpu.memory_space<vmem>> -> memref<1x128xi32, #tpu.memory_space<vmem>>
    %dma_start3A_60 = tpu.memref_squeeze %dma_start3A_59 : memref<1x128xi32, #tpu.memory_space<vmem>> -> memref<128xi32, #tpu.memory_space<vmem>>
    %dma_start3A_61 = arith.constant 1000000 : i32
    %dma_start3A_62 = tpu.memref_slice %arg6[%dma_start3A_61] : memref<2000000xf32, #tpu.memory_space<hbm>> -> memref<1000000xf32, #tpu.memory_space<hbm>>
    %dma_start3A_63 = arith.constant 0 : i32
    %dma_start3A_64 = tpu.memref_slice %dma_start3A_62[%dma_start3A_63] : memref<1000000xf32, #tpu.memory_space<hbm>> -> memref<1000000xf32, #tpu.memory_space<hbm>>
    tpu.enqueue_indirect_dma source(%dma_start3A_64 : memref<1000000xf32, #tpu.memory_space<hbm>>) target(%dma_start3A_57 : memref<128xf32, #tpu.memory_space<vmem>>) offsets(%dma_start3A_60 : memref<128xi32, #tpu.memory_space<vmem>>) semaphore(%arg17 : memref<!tpu.dma_semaphore, #tpu.memory_space<semaphore_mem>>)
    %dma_start3A_65 = arith.constant 1 : i32
    %dma_start3A_66 = arith.constant 128 : i32
    %dma_start3A_67 = arith.constant 0 : i32
    %dma_start3A_68 = tpu.memref_slice %arg11[%dma_start3A_66, %dma_start3A_67] : memref<512x64xf32, #tpu.memory_space<vmem>> -> memref<128x64xf32, #tpu.memory_space<vmem>>
    %dma_start3A_69 = arith.constant 0 : i32
    %dma_start3A_70 = tpu.memref_slice %arg9[%dma_start3A_65, %dma_start3A_69] : memref<4x128xi32, #tpu.memory_space<vmem>> -> memref<1x128xi32, #tpu.memory_space<vmem>>
    %dma_start3A_71 = tpu.memref_squeeze %dma_start3A_70 : memref<1x128xi32, #tpu.memory_space<vmem>> -> memref<128xi32, #tpu.memory_space<vmem>>
    %dma_start3A_72 = arith.constant 0 : i32
    %dma_start3A_73 = arith.constant 0 : i32
    %dma_start3A_74 = tpu.memref_slice %arg4[%dma_start3A_72, %dma_start3A_73] : memref<1000000x64xf32, #tpu.memory_space<hbm>> -> memref<1000000x64xf32, #tpu.memory_space<hbm>>
    tpu.enqueue_indirect_dma source(%dma_start3A_74 : memref<1000000x64xf32, #tpu.memory_space<hbm>>) target(%dma_start3A_68 : memref<128x64xf32, #tpu.memory_space<vmem>>) offsets(%dma_start3A_71 : memref<128xi32, #tpu.memory_space<vmem>>) semaphore(%arg17 : memref<!tpu.dma_semaphore, #tpu.memory_space<semaphore_mem>>)
    %dma_start3A_75 = arith.constant 1 : i32
    %dma_start3A_76 = arith.constant 128 : i32
    %dma_start3A_77 = arith.constant 0 : i32
    %dma_start3A_78 = tpu.memref_slice %arg12[%dma_start3A_76, %dma_start3A_77] : memref<512x64xf32, #tpu.memory_space<vmem>> -> memref<128x64xf32, #tpu.memory_space<vmem>>
    %dma_start3A_79 = arith.constant 0 : i32
    %dma_start3A_80 = tpu.memref_slice %arg10[%dma_start3A_75, %dma_start3A_79] : memref<4x128xi32, #tpu.memory_space<vmem>> -> memref<1x128xi32, #tpu.memory_space<vmem>>
    %dma_start3A_81 = tpu.memref_squeeze %dma_start3A_80 : memref<1x128xi32, #tpu.memory_space<vmem>> -> memref<128xi32, #tpu.memory_space<vmem>>
    %dma_start3A_82 = arith.constant 0 : i32
    %dma_start3A_83 = arith.constant 0 : i32
    %dma_start3A_84 = tpu.memref_slice %arg5[%dma_start3A_82, %dma_start3A_83] : memref<1000000x64xf32, #tpu.memory_space<hbm>> -> memref<1000000x64xf32, #tpu.memory_space<hbm>>
    tpu.enqueue_indirect_dma source(%dma_start3A_84 : memref<1000000x64xf32, #tpu.memory_space<hbm>>) target(%dma_start3A_78 : memref<128x64xf32, #tpu.memory_space<vmem>>) offsets(%dma_start3A_81 : memref<128xi32, #tpu.memory_space<vmem>>) semaphore(%arg17 : memref<!tpu.dma_semaphore, #tpu.memory_space<semaphore_mem>>)
    %dma_start3A_85 = arith.constant 1 : i32
    %dma_start3A_86 = arith.constant 128 : i32
    %dma_start3A_87 = tpu.memref_slice %arg13[%dma_start3A_86] : memref<512xf32, #tpu.memory_space<vmem>> -> memref<128xf32, #tpu.memory_space<vmem>>
    %dma_start3A_88 = arith.constant 0 : i32
    %dma_start3A_89 = tpu.memref_slice %arg9[%dma_start3A_85, %dma_start3A_88] : memref<4x128xi32, #tpu.memory_space<vmem>> -> memref<1x128xi32, #tpu.memory_space<vmem>>
    %dma_start3A_90 = tpu.memref_squeeze %dma_start3A_89 : memref<1x128xi32, #tpu.memory_space<vmem>> -> memref<128xi32, #tpu.memory_space<vmem>>
    %dma_start3A_91 = arith.constant 0 : i32
    %dma_start3A_92 = tpu.memref_slice %arg6[%dma_start3A_91] : memref<2000000xf32, #tpu.memory_space<hbm>> -> memref<1000000xf32, #tpu.memory_space<hbm>>
    %dma_start3A_93 = arith.constant 0 : i32
    %dma_start3A_94 = tpu.memref_slice %dma_start3A_92[%dma_start3A_93] : memref<1000000xf32, #tpu.memory_space<hbm>> -> memref<1000000xf32, #tpu.memory_space<hbm>>
    tpu.enqueue_indirect_dma source(%dma_start3A_94 : memref<1000000xf32, #tpu.memory_space<hbm>>) target(%dma_start3A_87 : memref<128xf32, #tpu.memory_space<vmem>>) offsets(%dma_start3A_90 : memref<128xi32, #tpu.memory_space<vmem>>) semaphore(%arg17 : memref<!tpu.dma_semaphore, #tpu.memory_space<semaphore_mem>>)
    %dma_start3A_95 = arith.constant 1 : i32
    %dma_start3A_96 = arith.constant 128 : i32
    %dma_start3A_97 = tpu.memref_slice %arg14[%dma_start3A_96] : memref<512xf32, #tpu.memory_space<vmem>> -> memref<128xf32, #tpu.memory_space<vmem>>
    %dma_start3A_98 = arith.constant 0 : i32
    %dma_start3A_99 = tpu.memref_slice %arg10[%dma_start3A_95, %dma_start3A_98] : memref<4x128xi32, #tpu.memory_space<vmem>> -> memref<1x128xi32, #tpu.memory_space<vmem>>
    %dma_start3A_100 = tpu.memref_squeeze %dma_start3A_99 : memref<1x128xi32, #tpu.memory_space<vmem>> -> memref<128xi32, #tpu.memory_space<vmem>>
    %dma_start3A_101 = arith.constant 1000000 : i32
    %dma_start3A_102 = tpu.memref_slice %arg6[%dma_start3A_101] : memref<2000000xf32, #tpu.memory_space<hbm>> -> memref<1000000xf32, #tpu.memory_space<hbm>>
    %dma_start3A_103 = arith.constant 0 : i32
    %dma_start3A_104 = tpu.memref_slice %dma_start3A_102[%dma_start3A_103] : memref<1000000xf32, #tpu.memory_space<hbm>> -> memref<1000000xf32, #tpu.memory_space<hbm>>
    tpu.enqueue_indirect_dma source(%dma_start3A_104 : memref<1000000xf32, #tpu.memory_space<hbm>>) target(%dma_start3A_97 : memref<128xf32, #tpu.memory_space<vmem>>) offsets(%dma_start3A_100 : memref<128xi32, #tpu.memory_space<vmem>>) semaphore(%arg17 : memref<!tpu.dma_semaphore, #tpu.memory_space<semaphore_mem>>)
    %dma_start3A_105 = arith.constant 2 : i32
    %dma_start3A_106 = arith.constant 256 : i32
    %dma_start3A_107 = arith.constant 0 : i32
    %dma_start3A_108 = tpu.memref_slice %arg11[%dma_start3A_106, %dma_start3A_107] : memref<512x64xf32, #tpu.memory_space<vmem>> -> memref<128x64xf32, #tpu.memory_space<vmem>>
    %dma_start3A_109 = arith.constant 0 : i32
    %dma_start3A_110 = tpu.memref_slice %arg9[%dma_start3A_105, %dma_start3A_109] : memref<4x128xi32, #tpu.memory_space<vmem>> -> memref<1x128xi32, #tpu.memory_space<vmem>>
    %dma_start3A_111 = tpu.memref_squeeze %dma_start3A_110 : memref<1x128xi32, #tpu.memory_space<vmem>> -> memref<128xi32, #tpu.memory_space<vmem>>
    %dma_start3A_112 = arith.constant 0 : i32
    %dma_start3A_113 = arith.constant 0 : i32
    %dma_start3A_114 = tpu.memref_slice %arg4[%dma_start3A_112, %dma_start3A_113] : memref<1000000x64xf32, #tpu.memory_space<hbm>> -> memref<1000000x64xf32, #tpu.memory_space<hbm>>
    tpu.enqueue_indirect_dma source(%dma_start3A_114 : memref<1000000x64xf32, #tpu.memory_space<hbm>>) target(%dma_start3A_108 : memref<128x64xf32, #tpu.memory_space<vmem>>) offsets(%dma_start3A_111 : memref<128xi32, #tpu.memory_space<vmem>>) semaphore(%arg17 : memref<!tpu.dma_semaphore, #tpu.memory_space<semaphore_mem>>)
    %dma_start3A_115 = arith.constant 2 : i32
    %dma_start3A_116 = arith.constant 256 : i32
    %dma_start3A_117 = arith.constant 0 : i32
    %dma_start3A_118 = tpu.memref_slice %arg12[%dma_start3A_116, %dma_start3A_117] : memref<512x64xf32, #tpu.memory_space<vmem>> -> memref<128x64xf32, #tpu.memory_space<vmem>>
    %dma_start3A_119 = arith.constant 0 : i32
    %dma_start3A_120 = tpu.memref_slice %arg10[%dma_start3A_115, %dma_start3A_119] : memref<4x128xi32, #tpu.memory_space<vmem>> -> memref<1x128xi32, #tpu.memory_space<vmem>>
    %dma_start3A_121 = tpu.memref_squeeze %dma_start3A_120 : memref<1x128xi32, #tpu.memory_space<vmem>> -> memref<128xi32, #tpu.memory_space<vmem>>
    %dma_start3A_122 = arith.constant 0 : i32
    %dma_start3A_123 = arith.constant 0 : i32
    %dma_start3A_124 = tpu.memref_slice %arg5[%dma_start3A_122, %dma_start3A_123] : memref<1000000x64xf32, #tpu.memory_space<hbm>> -> memref<1000000x64xf32, #tpu.memory_space<hbm>>
    tpu.enqueue_indirect_dma source(%dma_start3A_124 : memref<1000000x64xf32, #tpu.memory_space<hbm>>) target(%dma_start3A_118 : memref<128x64xf32, #tpu.memory_space<vmem>>) offsets(%dma_start3A_121 : memref<128xi32, #tpu.memory_space<vmem>>) semaphore(%arg17 : memref<!tpu.dma_semaphore, #tpu.memory_space<semaphore_mem>>)
    %dma_start3A_125 = arith.constant 2 : i32
    %dma_start3A_126 = arith.constant 256 : i32
    %dma_start3A_127 = tpu.memref_slice %arg13[%dma_start3A_126] : memref<512xf32, #tpu.memory_space<vmem>> -> memref<128xf32, #tpu.memory_space<vmem>>
    %dma_start3A_128 = arith.constant 0 : i32
    %dma_start3A_129 = tpu.memref_slice %arg9[%dma_start3A_125, %dma_start3A_128] : memref<4x128xi32, #tpu.memory_space<vmem>> -> memref<1x128xi32, #tpu.memory_space<vmem>>
    %dma_start3A_130 = tpu.memref_squeeze %dma_start3A_129 : memref<1x128xi32, #tpu.memory_space<vmem>> -> memref<128xi32, #tpu.memory_space<vmem>>
    %dma_start3A_131 = arith.constant 0 : i32
    %dma_start3A_132 = tpu.memref_slice %arg6[%dma_start3A_131] : memref<2000000xf32, #tpu.memory_space<hbm>> -> memref<1000000xf32, #tpu.memory_space<hbm>>
    %dma_start3A_133 = arith.constant 0 : i32
    %dma_start3A_134 = tpu.memref_slice %dma_start3A_132[%dma_start3A_133] : memref<1000000xf32, #tpu.memory_space<hbm>> -> memref<1000000xf32, #tpu.memory_space<hbm>>
    tpu.enqueue_indirect_dma source(%dma_start3A_134 : memref<1000000xf32, #tpu.memory_space<hbm>>) target(%dma_start3A_127 : memref<128xf32, #tpu.memory_space<vmem>>) offsets(%dma_start3A_130 : memref<128xi32, #tpu.memory_space<vmem>>) semaphore(%arg17 : memref<!tpu.dma_semaphore, #tpu.memory_space<semaphore_mem>>)
    %dma_start3A_135 = arith.constant 2 : i32
    %dma_start3A_136 = arith.constant 256 : i32
    %dma_start3A_137 = tpu.memref_slice %arg14[%dma_start3A_136] : memref<512xf32, #tpu.memory_space<vmem>> -> memref<128xf32, #tpu.memory_space<vmem>>
    %dma_start3A_138 = arith.constant 0 : i32
    %dma_start3A_139 = tpu.memref_slice %arg10[%dma_start3A_135, %dma_start3A_138] : memref<4x128xi32, #tpu.memory_space<vmem>> -> memref<1x128xi32, #tpu.memory_space<vmem>>
    %dma_start3A_140 = tpu.memref_squeeze %dma_start3A_139 : memref<1x128xi32, #tpu.memory_space<vmem>> -> memref<128xi32, #tpu.memory_space<vmem>>
    %dma_start3A_141 = arith.constant 1000000 : i32
    %dma_start3A_142 = tpu.memref_slice %arg6[%dma_start3A_141] : memref<2000000xf32, #tpu.memory_space<hbm>> -> memref<1000000xf32, #tpu.memory_space<hbm>>
    %dma_start3A_143 = arith.constant 0 : i32
    %dma_start3A_144 = tpu.memref_slice %dma_start3A_142[%dma_start3A_143] : memref<1000000xf32, #tpu.memory_space<hbm>> -> memref<1000000xf32, #tpu.memory_space<hbm>>
    tpu.enqueue_indirect_dma source(%dma_start3A_144 : memref<1000000xf32, #tpu.memory_space<hbm>>) target(%dma_start3A_137 : memref<128xf32, #tpu.memory_space<vmem>>) offsets(%dma_start3A_140 : memref<128xi32, #tpu.memory_space<vmem>>) semaphore(%arg17 : memref<!tpu.dma_semaphore, #tpu.memory_space<semaphore_mem>>)
    %dma_start3A_145 = arith.constant 3 : i32
    %dma_start3A_146 = arith.constant 384 : i32
    %dma_start3A_147 = arith.constant 0 : i32
    %dma_start3A_148 = tpu.memref_slice %arg11[%dma_start3A_146, %dma_start3A_147] : memref<512x64xf32, #tpu.memory_space<vmem>> -> memref<128x64xf32, #tpu.memory_space<vmem>>
    %dma_start3A_149 = arith.constant 0 : i32
    %dma_start3A_150 = tpu.memref_slice %arg9[%dma_start3A_145, %dma_start3A_149] : memref<4x128xi32, #tpu.memory_space<vmem>> -> memref<1x128xi32, #tpu.memory_space<vmem>>
    %dma_start3A_151 = tpu.memref_squeeze %dma_start3A_150 : memref<1x128xi32, #tpu.memory_space<vmem>> -> memref<128xi32, #tpu.memory_space<vmem>>
    %dma_start3A_152 = arith.constant 0 : i32
    %dma_start3A_153 = arith.constant 0 : i32
    %dma_start3A_154 = tpu.memref_slice %arg4[%dma_start3A_152, %dma_start3A_153] : memref<1000000x64xf32, #tpu.memory_space<hbm>> -> memref<1000000x64xf32, #tpu.memory_space<hbm>>
    tpu.enqueue_indirect_dma source(%dma_start3A_154 : memref<1000000x64xf32, #tpu.memory_space<hbm>>) target(%dma_start3A_148 : memref<128x64xf32, #tpu.memory_space<vmem>>) offsets(%dma_start3A_151 : memref<128xi32, #tpu.memory_space<vmem>>) semaphore(%arg17 : memref<!tpu.dma_semaphore, #tpu.memory_space<semaphore_mem>>)
    %dma_start3A_155 = arith.constant 3 : i32
    %dma_start3A_156 = arith.constant 384 : i32
    %dma_start3A_157 = arith.constant 0 : i32
    %dma_start3A_158 = tpu.memref_slice %arg12[%dma_start3A_156, %dma_start3A_157] : memref<512x64xf32, #tpu.memory_space<vmem>> -> memref<128x64xf32, #tpu.memory_space<vmem>>
    %dma_start3A_159 = arith.constant 0 : i32
    %dma_start3A_160 = tpu.memref_slice %arg10[%dma_start3A_155, %dma_start3A_159] : memref<4x128xi32, #tpu.memory_space<vmem>> -> memref<1x128xi32, #tpu.memory_space<vmem>>
    %dma_start3A_161 = tpu.memref_squeeze %dma_start3A_160 : memref<1x128xi32, #tpu.memory_space<vmem>> -> memref<128xi32, #tpu.memory_space<vmem>>
    %dma_start3A_162 = arith.constant 0 : i32
    %dma_start3A_163 = arith.constant 0 : i32
    %dma_start3A_164 = tpu.memref_slice %arg5[%dma_start3A_162, %dma_start3A_163] : memref<1000000x64xf32, #tpu.memory_space<hbm>> -> memref<1000000x64xf32, #tpu.memory_space<hbm>>
    tpu.enqueue_indirect_dma source(%dma_start3A_164 : memref<1000000x64xf32, #tpu.memory_space<hbm>>) target(%dma_start3A_158 : memref<128x64xf32, #tpu.memory_space<vmem>>) offsets(%dma_start3A_161 : memref<128xi32, #tpu.memory_space<vmem>>) semaphore(%arg17 : memref<!tpu.dma_semaphore, #tpu.memory_space<semaphore_mem>>)
    %dma_start3A_165 = arith.constant 3 : i32
    %dma_start3A_166 = arith.constant 384 : i32
    %dma_start3A_167 = tpu.memref_slice %arg13[%dma_start3A_166] : memref<512xf32, #tpu.memory_space<vmem>> -> memref<128xf32, #tpu.memory_space<vmem>>
    %dma_start3A_168 = arith.constant 0 : i32
    %dma_start3A_169 = tpu.memref_slice %arg9[%dma_start3A_165, %dma_start3A_168] : memref<4x128xi32, #tpu.memory_space<vmem>> -> memref<1x128xi32, #tpu.memory_space<vmem>>
    %dma_start3A_170 = tpu.memref_squeeze %dma_start3A_169 : memref<1x128xi32, #tpu.memory_space<vmem>> -> memref<128xi32, #tpu.memory_space<vmem>>
    %dma_start3A_171 = arith.constant 0 : i32
    %dma_start3A_172 = tpu.memref_slice %arg6[%dma_start3A_171] : memref<2000000xf32, #tpu.memory_space<hbm>> -> memref<1000000xf32, #tpu.memory_space<hbm>>
    %dma_start3A_173 = arith.constant 0 : i32
    %dma_start3A_174 = tpu.memref_slice %dma_start3A_172[%dma_start3A_173] : memref<1000000xf32, #tpu.memory_space<hbm>> -> memref<1000000xf32, #tpu.memory_space<hbm>>
    tpu.enqueue_indirect_dma source(%dma_start3A_174 : memref<1000000xf32, #tpu.memory_space<hbm>>) target(%dma_start3A_167 : memref<128xf32, #tpu.memory_space<vmem>>) offsets(%dma_start3A_170 : memref<128xi32, #tpu.memory_space<vmem>>) semaphore(%arg17 : memref<!tpu.dma_semaphore, #tpu.memory_space<semaphore_mem>>)
    %dma_start3A_175 = arith.constant 3 : i32
    %dma_start3A_176 = arith.constant 384 : i32
    %dma_start3A_177 = tpu.memref_slice %arg14[%dma_start3A_176] : memref<512xf32, #tpu.memory_space<vmem>> -> memref<128xf32, #tpu.memory_space<vmem>>
    %dma_start3A_178 = arith.constant 0 : i32
    %dma_start3A_179 = tpu.memref_slice %arg10[%dma_start3A_175, %dma_start3A_178] : memref<4x128xi32, #tpu.memory_space<vmem>> -> memref<1x128xi32, #tpu.memory_space<vmem>>
    %dma_start3A_180 = tpu.memref_squeeze %dma_start3A_179 : memref<1x128xi32, #tpu.memory_space<vmem>> -> memref<128xi32, #tpu.memory_space<vmem>>
    %dma_start3A_181 = arith.constant 1000000 : i32
    %dma_start3A_182 = tpu.memref_slice %arg6[%dma_start3A_181] : memref<2000000xf32, #tpu.memory_space<hbm>> -> memref<1000000xf32, #tpu.memory_space<hbm>>
    %dma_start3A_183 = arith.constant 0 : i32
    %dma_start3A_184 = tpu.memref_slice %dma_start3A_182[%dma_start3A_183] : memref<1000000xf32, #tpu.memory_space<hbm>> -> memref<1000000xf32, #tpu.memory_space<hbm>>
    tpu.enqueue_indirect_dma source(%dma_start3A_184 : memref<1000000xf32, #tpu.memory_space<hbm>>) target(%dma_start3A_177 : memref<128xf32, #tpu.memory_space<vmem>>) offsets(%dma_start3A_180 : memref<128xi32, #tpu.memory_space<vmem>>) semaphore(%arg17 : memref<!tpu.dma_semaphore, #tpu.memory_space<semaphore_mem>>)
    %dma_wait3A = arith.constant 0 : i32
    %dma_wait3A_185 = arith.constant 0 : i32
    %dma_wait3A_186 = arith.constant 0 : i32
    %dma_wait3A_187 = tpu.memref_slice %arg11[%dma_wait3A_185, %dma_wait3A_186] : memref<512x64xf32, #tpu.memory_space<vmem>> -> memref<128x64xf32, #tpu.memory_space<vmem>>
    %dma_wait3A_188 = arith.constant 0 : i32
    %dma_wait3A_189 = tpu.memref_slice %arg9[%dma_wait3A, %dma_wait3A_188] : memref<4x128xi32, #tpu.memory_space<vmem>> -> memref<1x128xi32, #tpu.memory_space<vmem>>
    %dma_wait3A_190 = tpu.memref_squeeze %dma_wait3A_189 : memref<1x128xi32, #tpu.memory_space<vmem>> -> memref<128xi32, #tpu.memory_space<vmem>>
    %dma_wait3A_191 = arith.constant 0 : i32
    %dma_wait3A_192 = arith.constant 0 : i32
    %dma_wait3A_193 = tpu.memref_slice %arg4[%dma_wait3A_191, %dma_wait3A_192] : memref<1000000x64xf32, #tpu.memory_space<hbm>> -> memref<1000000x64xf32, #tpu.memory_space<hbm>>
    tpu.wait_indirect_dma semaphore(%arg17 : memref<!tpu.dma_semaphore, #tpu.memory_space<semaphore_mem>>) src(%dma_wait3A_193 : memref<1000000x64xf32, #tpu.memory_space<hbm>>) dst(%dma_wait3A_187 : memref<128x64xf32, #tpu.memory_space<vmem>>)
    %dma_wait3A_194 = arith.constant 0 : i32
    %dma_wait3A_195 = arith.constant 0 : i32
    %dma_wait3A_196 = arith.constant 0 : i32
    %dma_wait3A_197 = tpu.memref_slice %arg12[%dma_wait3A_195, %dma_wait3A_196] : memref<512x64xf32, #tpu.memory_space<vmem>> -> memref<128x64xf32, #tpu.memory_space<vmem>>
    %dma_wait3A_198 = arith.constant 0 : i32
    %dma_wait3A_199 = tpu.memref_slice %arg10[%dma_wait3A_194, %dma_wait3A_198] : memref<4x128xi32, #tpu.memory_space<vmem>> -> memref<1x128xi32, #tpu.memory_space<vmem>>
    %dma_wait3A_200 = tpu.memref_squeeze %dma_wait3A_199 : memref<1x128xi32, #tpu.memory_space<vmem>> -> memref<128xi32, #tpu.memory_space<vmem>>
    %dma_wait3A_201 = arith.constant 0 : i32
    %dma_wait3A_202 = arith.constant 0 : i32
    %dma_wait3A_203 = tpu.memref_slice %arg5[%dma_wait3A_201, %dma_wait3A_202] : memref<1000000x64xf32, #tpu.memory_space<hbm>> -> memref<1000000x64xf32, #tpu.memory_space<hbm>>
    tpu.wait_indirect_dma semaphore(%arg17 : memref<!tpu.dma_semaphore, #tpu.memory_space<semaphore_mem>>) src(%dma_wait3A_203 : memref<1000000x64xf32, #tpu.memory_space<hbm>>) dst(%dma_wait3A_197 : memref<128x64xf32, #tpu.memory_space<vmem>>)
    %dma_wait3A_204 = arith.constant 0 : i32
    %dma_wait3A_205 = arith.constant 0 : i32
    %dma_wait3A_206 = tpu.memref_slice %arg13[%dma_wait3A_205] : memref<512xf32, #tpu.memory_space<vmem>> -> memref<128xf32, #tpu.memory_space<vmem>>
    %dma_wait3A_207 = arith.constant 0 : i32
    %dma_wait3A_208 = tpu.memref_slice %arg9[%dma_wait3A_204, %dma_wait3A_207] : memref<4x128xi32, #tpu.memory_space<vmem>> -> memref<1x128xi32, #tpu.memory_space<vmem>>
    %dma_wait3A_209 = tpu.memref_squeeze %dma_wait3A_208 : memref<1x128xi32, #tpu.memory_space<vmem>> -> memref<128xi32, #tpu.memory_space<vmem>>
    %dma_wait3A_210 = arith.constant 0 : i32
    %dma_wait3A_211 = tpu.memref_slice %arg6[%dma_wait3A_210] : memref<2000000xf32, #tpu.memory_space<hbm>> -> memref<1000000xf32, #tpu.memory_space<hbm>>
    %dma_wait3A_212 = arith.constant 0 : i32
    %dma_wait3A_213 = tpu.memref_slice %dma_wait3A_211[%dma_wait3A_212] : memref<1000000xf32, #tpu.memory_space<hbm>> -> memref<1000000xf32, #tpu.memory_space<hbm>>
    tpu.wait_indirect_dma semaphore(%arg17 : memref<!tpu.dma_semaphore, #tpu.memory_space<semaphore_mem>>) src(%dma_wait3A_213 : memref<1000000xf32, #tpu.memory_space<hbm>>) dst(%dma_wait3A_206 : memref<128xf32, #tpu.memory_space<vmem>>)
    %dma_wait3A_214 = arith.constant 0 : i32
    %dma_wait3A_215 = arith.constant 0 : i32
    %dma_wait3A_216 = tpu.memref_slice %arg14[%dma_wait3A_215] : memref<512xf32, #tpu.memory_space<vmem>> -> memref<128xf32, #tpu.memory_space<vmem>>
    %dma_wait3A_217 = arith.constant 0 : i32
    %dma_wait3A_218 = tpu.memref_slice %arg10[%dma_wait3A_214, %dma_wait3A_217] : memref<4x128xi32, #tpu.memory_space<vmem>> -> memref<1x128xi32, #tpu.memory_space<vmem>>
    %dma_wait3A_219 = tpu.memref_squeeze %dma_wait3A_218 : memref<1x128xi32, #tpu.memory_space<vmem>> -> memref<128xi32, #tpu.memory_space<vmem>>
    %dma_wait3A_220 = arith.constant 1000000 : i32
    %dma_wait3A_221 = tpu.memref_slice %arg6[%dma_wait3A_220] : memref<2000000xf32, #tpu.memory_space<hbm>> -> memref<1000000xf32, #tpu.memory_space<hbm>>
    %dma_wait3A_222 = arith.constant 0 : i32
    %dma_wait3A_223 = tpu.memref_slice %dma_wait3A_221[%dma_wait3A_222] : memref<1000000xf32, #tpu.memory_space<hbm>> -> memref<1000000xf32, #tpu.memory_space<hbm>>
    tpu.wait_indirect_dma semaphore(%arg17 : memref<!tpu.dma_semaphore, #tpu.memory_space<semaphore_mem>>) src(%dma_wait3A_223 : memref<1000000xf32, #tpu.memory_space<hbm>>) dst(%dma_wait3A_216 : memref<128xf32, #tpu.memory_space<vmem>>)
    %dma_wait3A_224 = arith.constant 1 : i32
    %dma_wait3A_225 = arith.constant 128 : i32
    %dma_wait3A_226 = arith.constant 0 : i32
    %dma_wait3A_227 = tpu.memref_slice %arg11[%dma_wait3A_225, %dma_wait3A_226] : memref<512x64xf32, #tpu.memory_space<vmem>> -> memref<128x64xf32, #tpu.memory_space<vmem>>
    %dma_wait3A_228 = arith.constant 0 : i32
    %dma_wait3A_229 = tpu.memref_slice %arg9[%dma_wait3A_224, %dma_wait3A_228] : memref<4x128xi32, #tpu.memory_space<vmem>> -> memref<1x128xi32, #tpu.memory_space<vmem>>
    %dma_wait3A_230 = tpu.memref_squeeze %dma_wait3A_229 : memref<1x128xi32, #tpu.memory_space<vmem>> -> memref<128xi32, #tpu.memory_space<vmem>>
    %dma_wait3A_231 = arith.constant 0 : i32
    %dma_wait3A_232 = arith.constant 0 : i32
    %dma_wait3A_233 = tpu.memref_slice %arg4[%dma_wait3A_231, %dma_wait3A_232] : memref<1000000x64xf32, #tpu.memory_space<hbm>> -> memref<1000000x64xf32, #tpu.memory_space<hbm>>
    tpu.wait_indirect_dma semaphore(%arg17 : memref<!tpu.dma_semaphore, #tpu.memory_space<semaphore_mem>>) src(%dma_wait3A_233 : memref<1000000x64xf32, #tpu.memory_space<hbm>>) dst(%dma_wait3A_227 : memref<128x64xf32, #tpu.memory_space<vmem>>)
    %dma_wait3A_234 = arith.constant 1 : i32
    %dma_wait3A_235 = arith.constant 128 : i32
    %dma_wait3A_236 = arith.constant 0 : i32
    %dma_wait3A_237 = tpu.memref_slice %arg12[%dma_wait3A_235, %dma_wait3A_236] : memref<512x64xf32, #tpu.memory_space<vmem>> -> memref<128x64xf32, #tpu.memory_space<vmem>>
    %dma_wait3A_238 = arith.constant 0 : i32
    %dma_wait3A_239 = tpu.memref_slice %arg10[%dma_wait3A_234, %dma_wait3A_238] : memref<4x128xi32, #tpu.memory_space<vmem>> -> memref<1x128xi32, #tpu.memory_space<vmem>>
    %dma_wait3A_240 = tpu.memref_squeeze %dma_wait3A_239 : memref<1x128xi32, #tpu.memory_space<vmem>> -> memref<128xi32, #tpu.memory_space<vmem>>
    %dma_wait3A_241 = arith.constant 0 : i32
    %dma_wait3A_242 = arith.constant 0 : i32
    %dma_wait3A_243 = tpu.memref_slice %arg5[%dma_wait3A_241, %dma_wait3A_242] : memref<1000000x64xf32, #tpu.memory_space<hbm>> -> memref<1000000x64xf32, #tpu.memory_space<hbm>>
    tpu.wait_indirect_dma semaphore(%arg17 : memref<!tpu.dma_semaphore, #tpu.memory_space<semaphore_mem>>) src(%dma_wait3A_243 : memref<1000000x64xf32, #tpu.memory_space<hbm>>) dst(%dma_wait3A_237 : memref<128x64xf32, #tpu.memory_space<vmem>>)
    %dma_wait3A_244 = arith.constant 1 : i32
    %dma_wait3A_245 = arith.constant 128 : i32
    %dma_wait3A_246 = tpu.memref_slice %arg13[%dma_wait3A_245] : memref<512xf32, #tpu.memory_space<vmem>> -> memref<128xf32, #tpu.memory_space<vmem>>
    %dma_wait3A_247 = arith.constant 0 : i32
    %dma_wait3A_248 = tpu.memref_slice %arg9[%dma_wait3A_244, %dma_wait3A_247] : memref<4x128xi32, #tpu.memory_space<vmem>> -> memref<1x128xi32, #tpu.memory_space<vmem>>
    %dma_wait3A_249 = tpu.memref_squeeze %dma_wait3A_248 : memref<1x128xi32, #tpu.memory_space<vmem>> -> memref<128xi32, #tpu.memory_space<vmem>>
    %dma_wait3A_250 = arith.constant 0 : i32
    %dma_wait3A_251 = tpu.memref_slice %arg6[%dma_wait3A_250] : memref<2000000xf32, #tpu.memory_space<hbm>> -> memref<1000000xf32, #tpu.memory_space<hbm>>
    %dma_wait3A_252 = arith.constant 0 : i32
    %dma_wait3A_253 = tpu.memref_slice %dma_wait3A_251[%dma_wait3A_252] : memref<1000000xf32, #tpu.memory_space<hbm>> -> memref<1000000xf32, #tpu.memory_space<hbm>>
    tpu.wait_indirect_dma semaphore(%arg17 : memref<!tpu.dma_semaphore, #tpu.memory_space<semaphore_mem>>) src(%dma_wait3A_253 : memref<1000000xf32, #tpu.memory_space<hbm>>) dst(%dma_wait3A_246 : memref<128xf32, #tpu.memory_space<vmem>>)
    %dma_wait3A_254 = arith.constant 1 : i32
    %dma_wait3A_255 = arith.constant 128 : i32
    %dma_wait3A_256 = tpu.memref_slice %arg14[%dma_wait3A_255] : memref<512xf32, #tpu.memory_space<vmem>> -> memref<128xf32, #tpu.memory_space<vmem>>
    %dma_wait3A_257 = arith.constant 0 : i32
    %dma_wait3A_258 = tpu.memref_slice %arg10[%dma_wait3A_254, %dma_wait3A_257] : memref<4x128xi32, #tpu.memory_space<vmem>> -> memref<1x128xi32, #tpu.memory_space<vmem>>
    %dma_wait3A_259 = tpu.memref_squeeze %dma_wait3A_258 : memref<1x128xi32, #tpu.memory_space<vmem>> -> memref<128xi32, #tpu.memory_space<vmem>>
    %dma_wait3A_260 = arith.constant 1000000 : i32
    %dma_wait3A_261 = tpu.memref_slice %arg6[%dma_wait3A_260] : memref<2000000xf32, #tpu.memory_space<hbm>> -> memref<1000000xf32, #tpu.memory_space<hbm>>
    %dma_wait3A_262 = arith.constant 0 : i32
    %dma_wait3A_263 = tpu.memref_slice %dma_wait3A_261[%dma_wait3A_262] : memref<1000000xf32, #tpu.memory_space<hbm>> -> memref<1000000xf32, #tpu.memory_space<hbm>>
    tpu.wait_indirect_dma semaphore(%arg17 : memref<!tpu.dma_semaphore, #tpu.memory_space<semaphore_mem>>) src(%dma_wait3A_263 : memref<1000000xf32, #tpu.memory_space<hbm>>) dst(%dma_wait3A_256 : memref<128xf32, #tpu.memory_space<vmem>>)
    %dma_wait3A_264 = arith.constant 2 : i32
    %dma_wait3A_265 = arith.constant 256 : i32
    %dma_wait3A_266 = arith.constant 0 : i32
    %dma_wait3A_267 = tpu.memref_slice %arg11[%dma_wait3A_265, %dma_wait3A_266] : memref<512x64xf32, #tpu.memory_space<vmem>> -> memref<128x64xf32, #tpu.memory_space<vmem>>
    %dma_wait3A_268 = arith.constant 0 : i32
    %dma_wait3A_269 = tpu.memref_slice %arg9[%dma_wait3A_264, %dma_wait3A_268] : memref<4x128xi32, #tpu.memory_space<vmem>> -> memref<1x128xi32, #tpu.memory_space<vmem>>
    %dma_wait3A_270 = tpu.memref_squeeze %dma_wait3A_269 : memref<1x128xi32, #tpu.memory_space<vmem>> -> memref<128xi32, #tpu.memory_space<vmem>>
    %dma_wait3A_271 = arith.constant 0 : i32
    %dma_wait3A_272 = arith.constant 0 : i32
    %dma_wait3A_273 = tpu.memref_slice %arg4[%dma_wait3A_271, %dma_wait3A_272] : memref<1000000x64xf32, #tpu.memory_space<hbm>> -> memref<1000000x64xf32, #tpu.memory_space<hbm>>
    tpu.wait_indirect_dma semaphore(%arg17 : memref<!tpu.dma_semaphore, #tpu.memory_space<semaphore_mem>>) src(%dma_wait3A_273 : memref<1000000x64xf32, #tpu.memory_space<hbm>>) dst(%dma_wait3A_267 : memref<128x64xf32, #tpu.memory_space<vmem>>)
    %dma_wait3A_274 = arith.constant 2 : i32
    %dma_wait3A_275 = arith.constant 256 : i32
    %dma_wait3A_276 = arith.constant 0 : i32
    %dma_wait3A_277 = tpu.memref_slice %arg12[%dma_wait3A_275, %dma_wait3A_276] : memref<512x64xf32, #tpu.memory_space<vmem>> -> memref<128x64xf32, #tpu.memory_space<vmem>>
    %dma_wait3A_278 = arith.constant 0 : i32
    %dma_wait3A_279 = tpu.memref_slice %arg10[%dma_wait3A_274, %dma_wait3A_278] : memref<4x128xi32, #tpu.memory_space<vmem>> -> memref<1x128xi32, #tpu.memory_space<vmem>>
    %dma_wait3A_280 = tpu.memref_squeeze %dma_wait3A_279 : memref<1x128xi32, #tpu.memory_space<vmem>> -> memref<128xi32, #tpu.memory_space<vmem>>
    %dma_wait3A_281 = arith.constant 0 : i32
    %dma_wait3A_282 = arith.constant 0 : i32
    %dma_wait3A_283 = tpu.memref_slice %arg5[%dma_wait3A_281, %dma_wait3A_282] : memref<1000000x64xf32, #tpu.memory_space<hbm>> -> memref<1000000x64xf32, #tpu.memory_space<hbm>>
    tpu.wait_indirect_dma semaphore(%arg17 : memref<!tpu.dma_semaphore, #tpu.memory_space<semaphore_mem>>) src(%dma_wait3A_283 : memref<1000000x64xf32, #tpu.memory_space<hbm>>) dst(%dma_wait3A_277 : memref<128x64xf32, #tpu.memory_space<vmem>>)
    %dma_wait3A_284 = arith.constant 2 : i32
    %dma_wait3A_285 = arith.constant 256 : i32
    %dma_wait3A_286 = tpu.memref_slice %arg13[%dma_wait3A_285] : memref<512xf32, #tpu.memory_space<vmem>> -> memref<128xf32, #tpu.memory_space<vmem>>
    %dma_wait3A_287 = arith.constant 0 : i32
    %dma_wait3A_288 = tpu.memref_slice %arg9[%dma_wait3A_284, %dma_wait3A_287] : memref<4x128xi32, #tpu.memory_space<vmem>> -> memref<1x128xi32, #tpu.memory_space<vmem>>
    %dma_wait3A_289 = tpu.memref_squeeze %dma_wait3A_288 : memref<1x128xi32, #tpu.memory_space<vmem>> -> memref<128xi32, #tpu.memory_space<vmem>>
    %dma_wait3A_290 = arith.constant 0 : i32
    %dma_wait3A_291 = tpu.memref_slice %arg6[%dma_wait3A_290] : memref<2000000xf32, #tpu.memory_space<hbm>> -> memref<1000000xf32, #tpu.memory_space<hbm>>
    %dma_wait3A_292 = arith.constant 0 : i32
    %dma_wait3A_293 = tpu.memref_slice %dma_wait3A_291[%dma_wait3A_292] : memref<1000000xf32, #tpu.memory_space<hbm>> -> memref<1000000xf32, #tpu.memory_space<hbm>>
    tpu.wait_indirect_dma semaphore(%arg17 : memref<!tpu.dma_semaphore, #tpu.memory_space<semaphore_mem>>) src(%dma_wait3A_293 : memref<1000000xf32, #tpu.memory_space<hbm>>) dst(%dma_wait3A_286 : memref<128xf32, #tpu.memory_space<vmem>>)
    %dma_wait3A_294 = arith.constant 2 : i32
    %dma_wait3A_295 = arith.constant 256 : i32
    %dma_wait3A_296 = tpu.memref_slice %arg14[%dma_wait3A_295] : memref<512xf32, #tpu.memory_space<vmem>> -> memref<128xf32, #tpu.memory_space<vmem>>
    %dma_wait3A_297 = arith.constant 0 : i32
    %dma_wait3A_298 = tpu.memref_slice %arg10[%dma_wait3A_294, %dma_wait3A_297] : memref<4x128xi32, #tpu.memory_space<vmem>> -> memref<1x128xi32, #tpu.memory_space<vmem>>
    %dma_wait3A_299 = tpu.memref_squeeze %dma_wait3A_298 : memref<1x128xi32, #tpu.memory_space<vmem>> -> memref<128xi32, #tpu.memory_space<vmem>>
    %dma_wait3A_300 = arith.constant 1000000 : i32
    %dma_wait3A_301 = tpu.memref_slice %arg6[%dma_wait3A_300] : memref<2000000xf32, #tpu.memory_space<hbm>> -> memref<1000000xf32, #tpu.memory_space<hbm>>
    %dma_wait3A_302 = arith.constant 0 : i32
    %dma_wait3A_303 = tpu.memref_slice %dma_wait3A_301[%dma_wait3A_302] : memref<1000000xf32, #tpu.memory_space<hbm>> -> memref<1000000xf32, #tpu.memory_space<hbm>>
    tpu.wait_indirect_dma semaphore(%arg17 : memref<!tpu.dma_semaphore, #tpu.memory_space<semaphore_mem>>) src(%dma_wait3A_303 : memref<1000000xf32, #tpu.memory_space<hbm>>) dst(%dma_wait3A_296 : memref<128xf32, #tpu.memory_space<vmem>>)
    %dma_wait3A_304 = arith.constant 3 : i32
    %dma_wait3A_305 = arith.constant 384 : i32
    %dma_wait3A_306 = arith.constant 0 : i32
    %dma_wait3A_307 = tpu.memref_slice %arg11[%dma_wait3A_305, %dma_wait3A_306] : memref<512x64xf32, #tpu.memory_space<vmem>> -> memref<128x64xf32, #tpu.memory_space<vmem>>
    %dma_wait3A_308 = arith.constant 0 : i32
    %dma_wait3A_309 = tpu.memref_slice %arg9[%dma_wait3A_304, %dma_wait3A_308] : memref<4x128xi32, #tpu.memory_space<vmem>> -> memref<1x128xi32, #tpu.memory_space<vmem>>
    %dma_wait3A_310 = tpu.memref_squeeze %dma_wait3A_309 : memref<1x128xi32, #tpu.memory_space<vmem>> -> memref<128xi32, #tpu.memory_space<vmem>>
    %dma_wait3A_311 = arith.constant 0 : i32
    %dma_wait3A_312 = arith.constant 0 : i32
    %dma_wait3A_313 = tpu.memref_slice %arg4[%dma_wait3A_311, %dma_wait3A_312] : memref<1000000x64xf32, #tpu.memory_space<hbm>> -> memref<1000000x64xf32, #tpu.memory_space<hbm>>
    tpu.wait_indirect_dma semaphore(%arg17 : memref<!tpu.dma_semaphore, #tpu.memory_space<semaphore_mem>>) src(%dma_wait3A_313 : memref<1000000x64xf32, #tpu.memory_space<hbm>>) dst(%dma_wait3A_307 : memref<128x64xf32, #tpu.memory_space<vmem>>)
    %dma_wait3A_314 = arith.constant 3 : i32
    %dma_wait3A_315 = arith.constant 384 : i32
    %dma_wait3A_316 = arith.constant 0 : i32
    %dma_wait3A_317 = tpu.memref_slice %arg12[%dma_wait3A_315, %dma_wait3A_316] : memref<512x64xf32, #tpu.memory_space<vmem>> -> memref<128x64xf32, #tpu.memory_space<vmem>>
    %dma_wait3A_318 = arith.constant 0 : i32
    %dma_wait3A_319 = tpu.memref_slice %arg10[%dma_wait3A_314, %dma_wait3A_318] : memref<4x128xi32, #tpu.memory_space<vmem>> -> memref<1x128xi32, #tpu.memory_space<vmem>>
    %dma_wait3A_320 = tpu.memref_squeeze %dma_wait3A_319 : memref<1x128xi32, #tpu.memory_space<vmem>> -> memref<128xi32, #tpu.memory_space<vmem>>
    %dma_wait3A_321 = arith.constant 0 : i32
    %dma_wait3A_322 = arith.constant 0 : i32
    %dma_wait3A_323 = tpu.memref_slice %arg5[%dma_wait3A_321, %dma_wait3A_322] : memref<1000000x64xf32, #tpu.memory_space<hbm>> -> memref<1000000x64xf32, #tpu.memory_space<hbm>>
    tpu.wait_indirect_dma semaphore(%arg17 : memref<!tpu.dma_semaphore, #tpu.memory_space<semaphore_mem>>) src(%dma_wait3A_323 : memref<1000000x64xf32, #tpu.memory_space<hbm>>) dst(%dma_wait3A_317 : memref<128x64xf32, #tpu.memory_space<vmem>>)
    %dma_wait3A_324 = arith.constant 3 : i32
    %dma_wait3A_325 = arith.constant 384 : i32
    %dma_wait3A_326 = tpu.memref_slice %arg13[%dma_wait3A_325] : memref<512xf32, #tpu.memory_space<vmem>> -> memref<128xf32, #tpu.memory_space<vmem>>
    %dma_wait3A_327 = arith.constant 0 : i32
    %dma_wait3A_328 = tpu.memref_slice %arg9[%dma_wait3A_324, %dma_wait3A_327] : memref<4x128xi32, #tpu.memory_space<vmem>> -> memref<1x128xi32, #tpu.memory_space<vmem>>
    %dma_wait3A_329 = tpu.memref_squeeze %dma_wait3A_328 : memref<1x128xi32, #tpu.memory_space<vmem>> -> memref<128xi32, #tpu.memory_space<vmem>>
    %dma_wait3A_330 = arith.constant 0 : i32
    %dma_wait3A_331 = tpu.memref_slice %arg6[%dma_wait3A_330] : memref<2000000xf32, #tpu.memory_space<hbm>> -> memref<1000000xf32, #tpu.memory_space<hbm>>
    %dma_wait3A_332 = arith.constant 0 : i32
    %dma_wait3A_333 = tpu.memref_slice %dma_wait3A_331[%dma_wait3A_332] : memref<1000000xf32, #tpu.memory_space<hbm>> -> memref<1000000xf32, #tpu.memory_space<hbm>>
    tpu.wait_indirect_dma semaphore(%arg17 : memref<!tpu.dma_semaphore, #tpu.memory_space<semaphore_mem>>) src(%dma_wait3A_333 : memref<1000000xf32, #tpu.memory_space<hbm>>) dst(%dma_wait3A_326 : memref<128xf32, #tpu.memory_space<vmem>>)
    %dma_wait3A_334 = arith.constant 3 : i32
    %dma_wait3A_335 = arith.constant 384 : i32
    %dma_wait3A_336 = tpu.memref_slice %arg14[%dma_wait3A_335] : memref<512xf32, #tpu.memory_space<vmem>> -> memref<128xf32, #tpu.memory_space<vmem>>
    %dma_wait3A_337 = arith.constant 0 : i32
    %dma_wait3A_338 = tpu.memref_slice %arg10[%dma_wait3A_334, %dma_wait3A_337] : memref<4x128xi32, #tpu.memory_space<vmem>> -> memref<1x128xi32, #tpu.memory_space<vmem>>
    %dma_wait3A_339 = tpu.memref_squeeze %dma_wait3A_338 : memref<1x128xi32, #tpu.memory_space<vmem>> -> memref<128xi32, #tpu.memory_space<vmem>>
    %dma_wait3A_340 = arith.constant 1000000 : i32
    %dma_wait3A_341 = tpu.memref_slice %arg6[%dma_wait3A_340] : memref<2000000xf32, #tpu.memory_space<hbm>> -> memref<1000000xf32, #tpu.memory_space<hbm>>
    %dma_wait3A_342 = arith.constant 0 : i32
    %dma_wait3A_343 = tpu.memref_slice %dma_wait3A_341[%dma_wait3A_342] : memref<1000000xf32, #tpu.memory_space<hbm>> -> memref<1000000xf32, #tpu.memory_space<hbm>>
    tpu.wait_indirect_dma semaphore(%arg17 : memref<!tpu.dma_semaphore, #tpu.memory_space<semaphore_mem>>) src(%dma_wait3A_343 : memref<1000000xf32, #tpu.memory_space<hbm>>) dst(%dma_wait3A_336 : memref<128xf32, #tpu.memory_space<vmem>>)
    %get3A = arith.constant 0 : index
    %get3A_344 = tpu.vector_load %arg16[%get3A] {strides = array<i32>} : memref<16xf32, #tpu.memory_space<vmem>>, vector<16xf32>,
    %iota3A = tpu.iota {dimensions = array<i32: 0>} : vector<16xi32>
    %scan3A = arith.constant 0 : i32
    %scan3A_345 = arith.constant 0 : i32
    %scan3A_346 = arith.constant 32 : i32
    %scan3A_347 = arith.addi %scan3A_345, %scan3A_346 : i32
    %scan3A_348 = arith.constant 1 : i32
    scf.for %scan3A_350 = %scan3A_345 to %scan3A_347 step %scan3A_348  : i32 {
      %mul3A_351 = arith.constant 16 : i32
      %mul3A_352 = arith.muli %scan3A_350, %mul3A_351 : i32
      %get3A_353 = arith.index_cast %mul3A_352 : i32 to index
      %get3A_354 = tpu.vector_load %arg13[%get3A_353] {strides = array<i32>} : memref<512xf32, #tpu.memory_space<vmem>>, vector<16xf32>,
      %get3A_355 = arith.index_cast %mul3A_352 : i32 to index
      %get3A_356 = tpu.vector_load %arg14[%get3A_355] {strides = array<i32>} : memref<512xf32, #tpu.memory_space<vmem>>, vector<16xf32>,
      %add3A_357 = arith.addf %get3A_354, %get3A_356 : vector<16xf32>
      %add3A_358 = arith.addf %add3A_357, %get3A_344 : vector<16xf32>
      %add3A_359 = arith.constant 0 : i32
      %add3A_360 = arith.addi %mul3A_352, %add3A_359 : i32
      %get3A_361 = arith.index_cast %add3A_360 : i32 to index
      %get3A_362 = arith.constant 0 : index
      %get3A_363 = tpu.vector_load %arg11[%get3A_361, %get3A_362] {strides = array<i32>} : memref<512x64xf32, #tpu.memory_space<vmem>>, vector<16xf32>,
      %get3A_364 = arith.index_cast %add3A_360 : i32 to index
      %get3A_365 = arith.constant 0 : index
      %get3A_366 = tpu.vector_load %arg12[%get3A_364, %get3A_365] {strides = array<i32>} : memref<512x64xf32, #tpu.memory_space<vmem>>, vector<16xf32>,
      %mul3A_367 = arith.mulf %get3A_363, %get3A_366 : vector<16xf32>
      %get3A_368 = arith.index_cast %add3A_360 : i32 to index
      %get3A_369 = arith.constant 16 : index
      %get3A_370 = tpu.vector_load %arg11[%get3A_368, %get3A_369] {strides = array<i32>} : memref<512x64xf32, #tpu.memory_space<vmem>>, vector<16xf32>,
      %get3A_371 = arith.index_cast %add3A_360 : i32 to index
      %get3A_372 = arith.constant 16 : index
      %get3A_373 = tpu.vector_load %arg12[%get3A_371, %get3A_372] {strides = array<i32>} : memref<512x64xf32, #tpu.memory_space<vmem>>, vector<16xf32>,
      %mul3A_374 = arith.mulf %get3A_370, %get3A_373 : vector<16xf32>
      %add3A_375 = arith.addf %mul3A_367, %mul3A_374 : vector<16xf32>
      %get3A_376 = arith.index_cast %add3A_360 : i32 to index
      %get3A_377 = arith.constant 32 : index
      %get3A_378 = tpu.vector_load %arg11[%get3A_376, %get3A_377] {strides = array<i32>} : memref<512x64xf32, #tpu.memory_space<vmem>>, vector<16xf32>,
      %get3A_379 = arith.index_cast %add3A_360 : i32 to index
      %get3A_380 = arith.constant 32 : index
      %get3A_381 = tpu.vector_load %arg12[%get3A_379, %get3A_380] {strides = array<i32>} : memref<512x64xf32, #tpu.memory_space<vmem>>, vector<16xf32>,
      %mul3A_382 = arith.mulf %get3A_378, %get3A_381 : vector<16xf32>
      %add3A_383 = arith.addf %add3A_375, %mul3A_382 : vector<16xf32>
      %get3A_384 = arith.index_cast %add3A_360 : i32 to index
      %get3A_385 = arith.constant 48 : index
      %get3A_386 = tpu.vector_load %arg11[%get3A_384, %get3A_385] {strides = array<i32>} : memref<512x64xf32, #tpu.memory_space<vmem>>, vector<16xf32>,
      %get3A_387 = arith.index_cast %add3A_360 : i32 to index
      %get3A_388 = arith.constant 48 : index
      %get3A_389 = tpu.vector_load %arg12[%get3A_387, %get3A_388] {strides = array<i32>} : memref<512x64xf32, #tpu.memory_space<vmem>>, vector<16xf32>,
      %mul3A_390 = arith.mulf %get3A_386, %get3A_389 : vector<16xf32>
      %add3A_391 = arith.addf %add3A_383, %mul3A_390 : vector<16xf32>
      %reduce_sum3A = arith.constant true
      %reduce_sum3A_392 = vector.broadcast %reduce_sum3A : i1 to vector<16xi1>
      %reduce_sum3A_393 = tpu.scan <sum>, %add3A_391 masked %reduce_sum3A_392 : vector<16xf32>, vector<16xi1> -> vector<16xf32>
      %reduce_sum3A_394 = vector.extract %reduce_sum3A_393[15] : f32 from vector<16xf32>
      %eq3A = arith.constant 0 : i32
      %eq3A_395 = vector.broadcast %eq3A : i32 to vector<16xi32>
      %eq3A_396 = arith.cmpi eq, %iota3A, %eq3A_395 : vector<16xi32>
      %add3A_397 = vector.broadcast %reduce_sum3A_394 : f32 to vector<16xf32>
      %add3A_398 = arith.addf %add3A_358, %add3A_397 : vector<16xf32>
      %select_n3A = arith.select %eq3A_396, %add3A_398, %add3A_358 : vector<16xi1>, vector<16xf32>
      %add3A_399 = arith.constant 1 : i32
      %add3A_400 = arith.addi %mul3A_352, %add3A_399 : i32
      %get3A_401 = arith.index_cast %add3A_400 : i32 to index
      %get3A_402 = arith.constant 0 : index
      %get3A_403 = tpu.vector_load %arg11[%get3A_401, %get3A_402] {strides = array<i32>} : memref<512x64xf32, #tpu.memory_space<vmem>>, vector<16xf32>,
      %get3A_404 = arith.index_cast %add3A_400 : i32 to index
      %get3A_405 = arith.constant 0 : index
      %get3A_406 = tpu.vector_load %arg12[%get3A_404, %get3A_405] {strides = array<i32>} : memref<512x64xf32, #tpu.memory_space<vmem>>, vector<16xf32>,
      %mul3A_407 = arith.mulf %get3A_403, %get3A_406 : vector<16xf32>
      %get3A_408 = arith.index_cast %add3A_400 : i32 to index
      %get3A_409 = arith.constant 16 : index
      %get3A_410 = tpu.vector_load %arg11[%get3A_408, %get3A_409] {strides = array<i32>} : memref<512x64xf32, #tpu.memory_space<vmem>>, vector<16xf32>,
      %get3A_411 = arith.index_cast %add3A_400 : i32 to index
      %get3A_412 = arith.constant 16 : index
      %get3A_413 = tpu.vector_load %arg12[%get3A_411, %get3A_412] {strides = array<i32>} : memref<512x64xf32, #tpu.memory_space<vmem>>, vector<16xf32>,
      %mul3A_414 = arith.mulf %get3A_410, %get3A_413 : vector<16xf32>
      %add3A_415 = arith.addf %mul3A_407, %mul3A_414 : vector<16xf32>
      %get3A_416 = arith.index_cast %add3A_400 : i32 to index
      %get3A_417 = arith.constant 32 : index
      %get3A_418 = tpu.vector_load %arg11[%get3A_416, %get3A_417] {strides = array<i32>} : memref<512x64xf32, #tpu.memory_space<vmem>>, vector<16xf32>,
      %get3A_419 = arith.index_cast %add3A_400 : i32 to index
      %get3A_420 = arith.constant 32 : index
      %get3A_421 = tpu.vector_load %arg12[%get3A_419, %get3A_420] {strides = array<i32>} : memref<512x64xf32, #tpu.memory_space<vmem>>, vector<16xf32>,
      %mul3A_422 = arith.mulf %get3A_418, %get3A_421 : vector<16xf32>
      %add3A_423 = arith.addf %add3A_415, %mul3A_422 : vector<16xf32>
      %get3A_424 = arith.index_cast %add3A_400 : i32 to index
      %get3A_425 = arith.constant 48 : index
      %get3A_426 = tpu.vector_load %arg11[%get3A_424, %get3A_425] {strides = array<i32>} : memref<512x64xf32, #tpu.memory_space<vmem>>, vector<16xf32>,
      %get3A_427 = arith.index_cast %add3A_400 : i32 to index
      %get3A_428 = arith.constant 48 : index
      %get3A_429 = tpu.vector_load %arg12[%get3A_427, %get3A_428] {strides = array<i32>} : memref<512x64xf32, #tpu.memory_space<vmem>>, vector<16xf32>,
      %mul3A_430 = arith.mulf %get3A_426, %get3A_429 : vector<16xf32>
      %add3A_431 = arith.addf %add3A_423, %mul3A_430 : vector<16xf32>
      %reduce_sum3A_432 = arith.constant true
      %reduce_sum3A_433 = vector.broadcast %reduce_sum3A_432 : i1 to vector<16xi1>
      %reduce_sum3A_434 = tpu.scan <sum>, %add3A_431 masked %reduce_sum3A_433 : vector<16xf32>, vector<16xi1> -> vector<16xf32>
      %reduce_sum3A_435 = vector.extract %reduce_sum3A_434[15] : f32 from vector<16xf32>
      %eq3A_436 = arith.constant 1 : i32
      %eq3A_437 = vector.broadcast %eq3A_436 : i32 to vector<16xi32>
      %eq3A_438 = arith.cmpi eq, %iota3A, %eq3A_437 : vector<16xi32>
      %add3A_439 = vector.broadcast %reduce_sum3A_435 : f32 to vector<16xf32>
      %add3A_440 = arith.addf %select_n3A, %add3A_439 : vector<16xf32>
      %select_n3A_441 = arith.select %eq3A_438, %add3A_440, %select_n3A : vector<16xi1>, vector<16xf32>
      %add3A_442 = arith.constant 2 : i32
      %add3A_443 = arith.addi %mul3A_352, %add3A_442 : i32
      %get3A_444 = arith.index_cast %add3A_443 : i32 to index
      %get3A_445 = arith.constant 0 : index
      %get3A_446 = tpu.vector_load %arg11[%get3A_444, %get3A_445] {strides = array<i32>} : memref<512x64xf32, #tpu.memory_space<vmem>>, vector<16xf32>,
      %get3A_447 = arith.index_cast %add3A_443 : i32 to index
      %get3A_448 = arith.constant 0 : index
      %get3A_449 = tpu.vector_load %arg12[%get3A_447, %get3A_448] {strides = array<i32>} : memref<512x64xf32, #tpu.memory_space<vmem>>, vector<16xf32>,
      %mul3A_450 = arith.mulf %get3A_446, %get3A_449 : vector<16xf32>
      %get3A_451 = arith.index_cast %add3A_443 : i32 to index
      %get3A_452 = arith.constant 16 : index
      %get3A_453 = tpu.vector_load %arg11[%get3A_451, %get3A_452] {strides = array<i32>} : memref<512x64xf32, #tpu.memory_space<vmem>>, vector<16xf32>,
      %get3A_454 = arith.index_cast %add3A_443 : i32 to index
      %get3A_455 = arith.constant 16 : index
      %get3A_456 = tpu.vector_load %arg12[%get3A_454, %get3A_455] {strides = array<i32>} : memref<512x64xf32, #tpu.memory_space<vmem>>, vector<16xf32>,
      %mul3A_457 = arith.mulf %get3A_453, %get3A_456 : vector<16xf32>
      %add3A_458 = arith.addf %mul3A_450, %mul3A_457 : vector<16xf32>
      %get3A_459 = arith.index_cast %add3A_443 : i32 to index
      %get3A_460 = arith.constant 32 : index
      %get3A_461 = tpu.vector_load %arg11[%get3A_459, %get3A_460] {strides = array<i32>} : memref<512x64xf32, #tpu.memory_space<vmem>>, vector<16xf32>,
      %get3A_462 = arith.index_cast %add3A_443 : i32 to index
      %get3A_463 = arith.constant 32 : index
      %get3A_464 = tpu.vector_load %arg12[%get3A_462, %get3A_463] {strides = array<i32>} : memref<512x64xf32, #tpu.memory_space<vmem>>, vector<16xf32>,
      %mul3A_465 = arith.mulf %get3A_461, %get3A_464 : vector<16xf32>
      %add3A_466 = arith.addf %add3A_458, %mul3A_465 : vector<16xf32>
      %get3A_467 = arith.index_cast %add3A_443 : i32 to index
      %get3A_468 = arith.constant 48 : index
      %get3A_469 = tpu.vector_load %arg11[%get3A_467, %get3A_468] {strides = array<i32>} : memref<512x64xf32, #tpu.memory_space<vmem>>, vector<16xf32>,
      %get3A_470 = arith.index_cast %add3A_443 : i32 to index
      %get3A_471 = arith.constant 48 : index
      %get3A_472 = tpu.vector_load %arg12[%get3A_470, %get3A_471] {strides = array<i32>} : memref<512x64xf32, #tpu.memory_space<vmem>>, vector<16xf32>,
      %mul3A_473 = arith.mulf %get3A_469, %get3A_472 : vector<16xf32>
      %add3A_474 = arith.addf %add3A_466, %mul3A_473 : vector<16xf32>
      %reduce_sum3A_475 = arith.constant true
      %reduce_sum3A_476 = vector.broadcast %reduce_sum3A_475 : i1 to vector<16xi1>
      %reduce_sum3A_477 = tpu.scan <sum>, %add3A_474 masked %reduce_sum3A_476 : vector<16xf32>, vector<16xi1> -> vector<16xf32>
      %reduce_sum3A_478 = vector.extract %reduce_sum3A_477[15] : f32 from vector<16xf32>
      %eq3A_479 = arith.constant 2 : i32
      %eq3A_480 = vector.broadcast %eq3A_479 : i32 to vector<16xi32>
      %eq3A_481 = arith.cmpi eq, %iota3A, %eq3A_480 : vector<16xi32>
      %add3A_482 = vector.broadcast %reduce_sum3A_478 : f32 to vector<16xf32>
      %add3A_483 = arith.addf %select_n3A_441, %add3A_482 : vector<16xf32>
      %select_n3A_484 = arith.select %eq3A_481, %add3A_483, %select_n3A_441 : vector<16xi1>, vector<16xf32>
      %add3A_485 = arith.constant 3 : i32
      %add3A_486 = arith.addi %mul3A_352, %add3A_485 : i32
      %get3A_487 = arith.index_cast %add3A_486 : i32 to index
      %get3A_488 = arith.constant 0 : index
      %get3A_489 = tpu.vector_load %arg11[%get3A_487, %get3A_488] {strides = array<i32>} : memref<512x64xf32, #tpu.memory_space<vmem>>, vector<16xf32>,
      %get3A_490 = arith.index_cast %add3A_486 : i32 to index
      %get3A_491 = arith.constant 0 : index
      %get3A_492 = tpu.vector_load %arg12[%get3A_490, %get3A_491] {strides = array<i32>} : memref<512x64xf32, #tpu.memory_space<vmem>>, vector<16xf32>,
      %mul3A_493 = arith.mulf %get3A_489, %get3A_492 : vector<16xf32>
      %get3A_494 = arith.index_cast %add3A_486 : i32 to index
      %get3A_495 = arith.constant 16 : index
      %get3A_496 = tpu.vector_load %arg11[%get3A_494, %get3A_495] {strides = array<i32>} : memref<512x64xf32, #tpu.memory_space<vmem>>, vector<16xf32>,
      %get3A_497 = arith.index_cast %add3A_486 : i32 to index
      %get3A_498 = arith.constant 16 : index
      %get3A_499 = tpu.vector_load %arg12[%get3A_497, %get3A_498] {strides = array<i32>} : memref<512x64xf32, #tpu.memory_space<vmem>>, vector<16xf32>,
      %mul3A_500 = arith.mulf %get3A_496, %get3A_499 : vector<16xf32>
      %add3A_501 = arith.addf %mul3A_493, %mul3A_500 : vector<16xf32>
      %get3A_502 = arith.index_cast %add3A_486 : i32 to index
      %get3A_503 = arith.constant 32 : index
      %get3A_504 = tpu.vector_load %arg11[%get3A_502, %get3A_503] {strides = array<i32>} : memref<512x64xf32, #tpu.memory_space<vmem>>, vector<16xf32>,
      %get3A_505 = arith.index_cast %add3A_486 : i32 to index
      %get3A_506 = arith.constant 32 : index
      %get3A_507 = tpu.vector_load %arg12[%get3A_505, %get3A_506] {strides = array<i32>} : memref<512x64xf32, #tpu.memory_space<vmem>>, vector<16xf32>,
      %mul3A_508 = arith.mulf %get3A_504, %get3A_507 : vector<16xf32>
      %add3A_509 = arith.addf %add3A_501, %mul3A_508 : vector<16xf32>
      %get3A_510 = arith.index_cast %add3A_486 : i32 to index
      %get3A_511 = arith.constant 48 : index
      %get3A_512 = tpu.vector_load %arg11[%get3A_510, %get3A_511] {strides = array<i32>} : memref<512x64xf32, #tpu.memory_space<vmem>>, vector<16xf32>,
      %get3A_513 = arith.index_cast %add3A_486 : i32 to index
      %get3A_514 = arith.constant 48 : index
      %get3A_515 = tpu.vector_load %arg12[%get3A_513, %get3A_514] {strides = array<i32>} : memref<512x64xf32, #tpu.memory_space<vmem>>, vector<16xf32>,
      %mul3A_516 = arith.mulf %get3A_512, %get3A_515 : vector<16xf32>
      %add3A_517 = arith.addf %add3A_509, %mul3A_516 : vector<16xf32>
      %reduce_sum3A_518 = arith.constant true
      %reduce_sum3A_519 = vector.broadcast %reduce_sum3A_518 : i1 to vector<16xi1>
      %reduce_sum3A_520 = tpu.scan <sum>, %add3A_517 masked %reduce_sum3A_519 : vector<16xf32>, vector<16xi1> -> vector<16xf32>
      %reduce_sum3A_521 = vector.extract %reduce_sum3A_520[15] : f32 from vector<16xf32>
      %eq3A_522 = arith.constant 3 : i32
      %eq3A_523 = vector.broadcast %eq3A_522 : i32 to vector<16xi32>
      %eq3A_524 = arith.cmpi eq, %iota3A, %eq3A_523 : vector<16xi32>
      %add3A_525 = vector.broadcast %reduce_sum3A_521 : f32 to vector<16xf32>
      %add3A_526 = arith.addf %select_n3A_484, %add3A_525 : vector<16xf32>
      %select_n3A_527 = arith.select %eq3A_524, %add3A_526, %select_n3A_484 : vector<16xi1>, vector<16xf32>
      %add3A_528 = arith.constant 4 : i32
      %add3A_529 = arith.addi %mul3A_352, %add3A_528 : i32
      %get3A_530 = arith.index_cast %add3A_529 : i32 to index
      %get3A_531 = arith.constant 0 : index
      %get3A_532 = tpu.vector_load %arg11[%get3A_530, %get3A_531] {strides = array<i32>} : memref<512x64xf32, #tpu.memory_space<vmem>>, vector<16xf32>,
      %get3A_533 = arith.index_cast %add3A_529 : i32 to index
      %get3A_534 = arith.constant 0 : index
      %get3A_535 = tpu.vector_load %arg12[%get3A_533, %get3A_534] {strides = array<i32>} : memref<512x64xf32, #tpu.memory_space<vmem>>, vector<16xf32>,
      %mul3A_536 = arith.mulf %get3A_532, %get3A_535 : vector<16xf32>
      %get3A_537 = arith.index_cast %add3A_529 : i32 to index
      %get3A_538 = arith.constant 16 : index
      %get3A_539 = tpu.vector_load %arg11[%get3A_537, %get3A_538] {strides = array<i32>} : memref<512x64xf32, #tpu.memory_space<vmem>>, vector<16xf32>,
      %get3A_540 = arith.index_cast %add3A_529 : i32 to index
      %get3A_541 = arith.constant 16 : index
      %get3A_542 = tpu.vector_load %arg12[%get3A_540, %get3A_541] {strides = array<i32>} : memref<512x64xf32, #tpu.memory_space<vmem>>, vector<16xf32>,
      %mul3A_543 = arith.mulf %get3A_539, %get3A_542 : vector<16xf32>
      %add3A_544 = arith.addf %mul3A_536, %mul3A_543 : vector<16xf32>
      %get3A_545 = arith.index_cast %add3A_529 : i32 to index
      %get3A_546 = arith.constant 32 : index
      %get3A_547 = tpu.vector_load %arg11[%get3A_545, %get3A_546] {strides = array<i32>} : memref<512x64xf32, #tpu.memory_space<vmem>>, vector<16xf32>,
      %get3A_548 = arith.index_cast %add3A_529 : i32 to index
      %get3A_549 = arith.constant 32 : index
      %get3A_550 = tpu.vector_load %arg12[%get3A_548, %get3A_549] {strides = array<i32>} : memref<512x64xf32, #tpu.memory_space<vmem>>, vector<16xf32>,
      %mul3A_551 = arith.mulf %get3A_547, %get3A_550 : vector<16xf32>
      %add3A_552 = arith.addf %add3A_544, %mul3A_551 : vector<16xf32>
      %get3A_553 = arith.index_cast %add3A_529 : i32 to index
      %get3A_554 = arith.constant 48 : index
      %get3A_555 = tpu.vector_load %arg11[%get3A_553, %get3A_554] {strides = array<i32>} : memref<512x64xf32, #tpu.memory_space<vmem>>, vector<16xf32>,
      %get3A_556 = arith.index_cast %add3A_529 : i32 to index
      %get3A_557 = arith.constant 48 : index
      %get3A_558 = tpu.vector_load %arg12[%get3A_556, %get3A_557] {strides = array<i32>} : memref<512x64xf32, #tpu.memory_space<vmem>>, vector<16xf32>,
      %mul3A_559 = arith.mulf %get3A_555, %get3A_558 : vector<16xf32>
      %add3A_560 = arith.addf %add3A_552, %mul3A_559 : vector<16xf32>
      %reduce_sum3A_561 = arith.constant true
      %reduce_sum3A_562 = vector.broadcast %reduce_sum3A_561 : i1 to vector<16xi1>
      %reduce_sum3A_563 = tpu.scan <sum>, %add3A_560 masked %reduce_sum3A_562 : vector<16xf32>, vector<16xi1> -> vector<16xf32>
      %reduce_sum3A_564 = vector.extract %reduce_sum3A_563[15] : f32 from vector<16xf32>
      %eq3A_565 = arith.constant 4 : i32
      %eq3A_566 = vector.broadcast %eq3A_565 : i32 to vector<16xi32>
      %eq3A_567 = arith.cmpi eq, %iota3A, %eq3A_566 : vector<16xi32>
      %add3A_568 = vector.broadcast %reduce_sum3A_564 : f32 to vector<16xf32>
      %add3A_569 = arith.addf %select_n3A_527, %add3A_568 : vector<16xf32>
      %select_n3A_570 = arith.select %eq3A_567, %add3A_569, %select_n3A_527 : vector<16xi1>, vector<16xf32>
      %add3A_571 = arith.constant 5 : i32
      %add3A_572 = arith.addi %mul3A_352, %add3A_571 : i32
      %get3A_573 = arith.index_cast %add3A_572 : i32 to index
      %get3A_574 = arith.constant 0 : index
      %get3A_575 = tpu.vector_load %arg11[%get3A_573, %get3A_574] {strides = array<i32>} : memref<512x64xf32, #tpu.memory_space<vmem>>, vector<16xf32>,
      %get3A_576 = arith.index_cast %add3A_572 : i32 to index
      %get3A_577 = arith.constant 0 : index
      %get3A_578 = tpu.vector_load %arg12[%get3A_576, %get3A_577] {strides = array<i32>} : memref<512x64xf32, #tpu.memory_space<vmem>>, vector<16xf32>,
      %mul3A_579 = arith.mulf %get3A_575, %get3A_578 : vector<16xf32>
      %get3A_580 = arith.index_cast %add3A_572 : i32 to index
      %get3A_581 = arith.constant 16 : index
      %get3A_582 = tpu.vector_load %arg11[%get3A_580, %get3A_581] {strides = array<i32>} : memref<512x64xf32, #tpu.memory_space<vmem>>, vector<16xf32>,
      %get3A_583 = arith.index_cast %add3A_572 : i32 to index
      %get3A_584 = arith.constant 16 : index
      %get3A_585 = tpu.vector_load %arg12[%get3A_583, %get3A_584] {strides = array<i32>} : memref<512x64xf32, #tpu.memory_space<vmem>>, vector<16xf32>,
      %mul3A_586 = arith.mulf %get3A_582, %get3A_585 : vector<16xf32>
      %add3A_587 = arith.addf %mul3A_579, %mul3A_586 : vector<16xf32>
      %get3A_588 = arith.index_cast %add3A_572 : i32 to index
      %get3A_589 = arith.constant 32 : index
      %get3A_590 = tpu.vector_load %arg11[%get3A_588, %get3A_589] {strides = array<i32>} : memref<512x64xf32, #tpu.memory_space<vmem>>, vector<16xf32>,
      %get3A_591 = arith.index_cast %add3A_572 : i32 to index
      %get3A_592 = arith.constant 32 : index
      %get3A_593 = tpu.vector_load %arg12[%get3A_591, %get3A_592] {strides = array<i32>} : memref<512x64xf32, #tpu.memory_space<vmem>>, vector<16xf32>,
      %mul3A_594 = arith.mulf %get3A_590, %get3A_593 : vector<16xf32>
      %add3A_595 = arith.addf %add3A_587, %mul3A_594 : vector<16xf32>
      %get3A_596 = arith.index_cast %add3A_572 : i32 to index
      %get3A_597 = arith.constant 48 : index
      %get3A_598 = tpu.vector_load %arg11[%get3A_596, %get3A_597] {strides = array<i32>} : memref<512x64xf32, #tpu.memory_space<vmem>>, vector<16xf32>,
      %get3A_599 = arith.index_cast %add3A_572 : i32 to index
      %get3A_600 = arith.constant 48 : index
      %get3A_601 = tpu.vector_load %arg12[%get3A_599, %get3A_600] {strides = array<i32>} : memref<512x64xf32, #tpu.memory_space<vmem>>, vector<16xf32>,
      %mul3A_602 = arith.mulf %get3A_598, %get3A_601 : vector<16xf32>
      %add3A_603 = arith.addf %add3A_595, %mul3A_602 : vector<16xf32>
      %reduce_sum3A_604 = arith.constant true
      %reduce_sum3A_605 = vector.broadcast %reduce_sum3A_604 : i1 to vector<16xi1>
      %reduce_sum3A_606 = tpu.scan <sum>, %add3A_603 masked %reduce_sum3A_605 : vector<16xf32>, vector<16xi1> -> vector<16xf32>
      %reduce_sum3A_607 = vector.extract %reduce_sum3A_606[15] : f32 from vector<16xf32>
      %eq3A_608 = arith.constant 5 : i32
      %eq3A_609 = vector.broadcast %eq3A_608 : i32 to vector<16xi32>
      %eq3A_610 = arith.cmpi eq, %iota3A, %eq3A_609 : vector<16xi32>
      %add3A_611 = vector.broadcast %reduce_sum3A_607 : f32 to vector<16xf32>
      %add3A_612 = arith.addf %select_n3A_570, %add3A_611 : vector<16xf32>
      %select_n3A_613 = arith.select %eq3A_610, %add3A_612, %select_n3A_570 : vector<16xi1>, vector<16xf32>
      %add3A_614 = arith.constant 6 : i32
      %add3A_615 = arith.addi %mul3A_352, %add3A_614 : i32
      %get3A_616 = arith.index_cast %add3A_615 : i32 to index
      %get3A_617 = arith.constant 0 : index
      %get3A_618 = tpu.vector_load %arg11[%get3A_616, %get3A_617] {strides = array<i32>} : memref<512x64xf32, #tpu.memory_space<vmem>>, vector<16xf32>,
      %get3A_619 = arith.index_cast %add3A_615 : i32 to index
      %get3A_620 = arith.constant 0 : index
      %get3A_621 = tpu.vector_load %arg12[%get3A_619, %get3A_620] {strides = array<i32>} : memref<512x64xf32, #tpu.memory_space<vmem>>, vector<16xf32>,
      %mul3A_622 = arith.mulf %get3A_618, %get3A_621 : vector<16xf32>
      %get3A_623 = arith.index_cast %add3A_615 : i32 to index
      %get3A_624 = arith.constant 16 : index
      %get3A_625 = tpu.vector_load %arg11[%get3A_623, %get3A_624] {strides = array<i32>} : memref<512x64xf32, #tpu.memory_space<vmem>>, vector<16xf32>,
      %get3A_626 = arith.index_cast %add3A_615 : i32 to index
      %get3A_627 = arith.constant 16 : index
      %get3A_628 = tpu.vector_load %arg12[%get3A_626, %get3A_627] {strides = array<i32>} : memref<512x64xf32, #tpu.memory_space<vmem>>, vector<16xf32>,
      %mul3A_629 = arith.mulf %get3A_625, %get3A_628 : vector<16xf32>
      %add3A_630 = arith.addf %mul3A_622, %mul3A_629 : vector<16xf32>
      %get3A_631 = arith.index_cast %add3A_615 : i32 to index
      %get3A_632 = arith.constant 32 : index
      %get3A_633 = tpu.vector_load %arg11[%get3A_631, %get3A_632] {strides = array<i32>} : memref<512x64xf32, #tpu.memory_space<vmem>>, vector<16xf32>,
      %get3A_634 = arith.index_cast %add3A_615 : i32 to index
      %get3A_635 = arith.constant 32 : index
      %get3A_636 = tpu.vector_load %arg12[%get3A_634, %get3A_635] {strides = array<i32>} : memref<512x64xf32, #tpu.memory_space<vmem>>, vector<16xf32>,
      %mul3A_637 = arith.mulf %get3A_633, %get3A_636 : vector<16xf32>
      %add3A_638 = arith.addf %add3A_630, %mul3A_637 : vector<16xf32>
      %get3A_639 = arith.index_cast %add3A_615 : i32 to index
      %get3A_640 = arith.constant 48 : index
      %get3A_641 = tpu.vector_load %arg11[%get3A_639, %get3A_640] {strides = array<i32>} : memref<512x64xf32, #tpu.memory_space<vmem>>, vector<16xf32>,
      %get3A_642 = arith.index_cast %add3A_615 : i32 to index
      %get3A_643 = arith.constant 48 : index
      %get3A_644 = tpu.vector_load %arg12[%get3A_642, %get3A_643] {strides = array<i32>} : memref<512x64xf32, #tpu.memory_space<vmem>>, vector<16xf32>,
      %mul3A_645 = arith.mulf %get3A_641, %get3A_644 : vector<16xf32>
      %add3A_646 = arith.addf %add3A_638, %mul3A_645 : vector<16xf32>
      %reduce_sum3A_647 = arith.constant true
      %reduce_sum3A_648 = vector.broadcast %reduce_sum3A_647 : i1 to vector<16xi1>
      %reduce_sum3A_649 = tpu.scan <sum>, %add3A_646 masked %reduce_sum3A_648 : vector<16xf32>, vector<16xi1> -> vector<16xf32>
      %reduce_sum3A_650 = vector.extract %reduce_sum3A_649[15] : f32 from vector<16xf32>
      %eq3A_651 = arith.constant 6 : i32
      %eq3A_652 = vector.broadcast %eq3A_651 : i32 to vector<16xi32>
      %eq3A_653 = arith.cmpi eq, %iota3A, %eq3A_652 : vector<16xi32>
      %add3A_654 = vector.broadcast %reduce_sum3A_650 : f32 to vector<16xf32>
      %add3A_655 = arith.addf %select_n3A_613, %add3A_654 : vector<16xf32>
      %select_n3A_656 = arith.select %eq3A_653, %add3A_655, %select_n3A_613 : vector<16xi1>, vector<16xf32>
      %add3A_657 = arith.constant 7 : i32
      %add3A_658 = arith.addi %mul3A_352, %add3A_657 : i32
      %get3A_659 = arith.index_cast %add3A_658 : i32 to index
      %get3A_660 = arith.constant 0 : index
      %get3A_661 = tpu.vector_load %arg11[%get3A_659, %get3A_660] {strides = array<i32>} : memref<512x64xf32, #tpu.memory_space<vmem>>, vector<16xf32>,
      %get3A_662 = arith.index_cast %add3A_658 : i32 to index
      %get3A_663 = arith.constant 0 : index
      %get3A_664 = tpu.vector_load %arg12[%get3A_662, %get3A_663] {strides = array<i32>} : memref<512x64xf32, #tpu.memory_space<vmem>>, vector<16xf32>,
      %mul3A_665 = arith.mulf %get3A_661, %get3A_664 : vector<16xf32>
      %get3A_666 = arith.index_cast %add3A_658 : i32 to index
      %get3A_667 = arith.constant 16 : index
      %get3A_668 = tpu.vector_load %arg11[%get3A_666, %get3A_667] {strides = array<i32>} : memref<512x64xf32, #tpu.memory_space<vmem>>, vector<16xf32>,
      %get3A_669 = arith.index_cast %add3A_658 : i32 to index
      %get3A_670 = arith.constant 16 : index
      %get3A_671 = tpu.vector_load %arg12[%get3A_669, %get3A_670] {strides = array<i32>} : memref<512x64xf32, #tpu.memory_space<vmem>>, vector<16xf32>,
      %mul3A_672 = arith.mulf %get3A_668, %get3A_671 : vector<16xf32>
      %add3A_673 = arith.addf %mul3A_665, %mul3A_672 : vector<16xf32>
      %get3A_674 = arith.index_cast %add3A_658 : i32 to index
      %get3A_675 = arith.constant 32 : index
      %get3A_676 = tpu.vector_load %arg11[%get3A_674, %get3A_675] {strides = array<i32>} : memref<512x64xf32, #tpu.memory_space<vmem>>, vector<16xf32>,
      %get3A_677 = arith.index_cast %add3A_658 : i32 to index
      %get3A_678 = arith.constant 32 : index
      %get3A_679 = tpu.vector_load %arg12[%get3A_677, %get3A_678] {strides = array<i32>} : memref<512x64xf32, #tpu.memory_space<vmem>>, vector<16xf32>,
      %mul3A_680 = arith.mulf %get3A_676, %get3A_679 : vector<16xf32>
      %add3A_681 = arith.addf %add3A_673, %mul3A_680 : vector<16xf32>
      %get3A_682 = arith.index_cast %add3A_658 : i32 to index
      %get3A_683 = arith.constant 48 : index
      %get3A_684 = tpu.vector_load %arg11[%get3A_682, %get3A_683] {strides = array<i32>} : memref<512x64xf32, #tpu.memory_space<vmem>>, vector<16xf32>,
      %get3A_685 = arith.index_cast %add3A_658 : i32 to index
      %get3A_686 = arith.constant 48 : index
      %get3A_687 = tpu.vector_load %arg12[%get3A_685, %get3A_686] {strides = array<i32>} : memref<512x64xf32, #tpu.memory_space<vmem>>, vector<16xf32>,
      %mul3A_688 = arith.mulf %get3A_684, %get3A_687 : vector<16xf32>
      %add3A_689 = arith.addf %add3A_681, %mul3A_688 : vector<16xf32>
      %reduce_sum3A_690 = arith.constant true
      %reduce_sum3A_691 = vector.broadcast %reduce_sum3A_690 : i1 to vector<16xi1>
      %reduce_sum3A_692 = tpu.scan <sum>, %add3A_689 masked %reduce_sum3A_691 : vector<16xf32>, vector<16xi1> -> vector<16xf32>
      %reduce_sum3A_693 = vector.extract %reduce_sum3A_692[15] : f32 from vector<16xf32>
      %eq3A_694 = arith.constant 7 : i32
      %eq3A_695 = vector.broadcast %eq3A_694 : i32 to vector<16xi32>
      %eq3A_696 = arith.cmpi eq, %iota3A, %eq3A_695 : vector<16xi32>
      %add3A_697 = vector.broadcast %reduce_sum3A_693 : f32 to vector<16xf32>
      %add3A_698 = arith.addf %select_n3A_656, %add3A_697 : vector<16xf32>
      %select_n3A_699 = arith.select %eq3A_696, %add3A_698, %select_n3A_656 : vector<16xi1>, vector<16xf32>
      %add3A_700 = arith.constant 8 : i32
      %add3A_701 = arith.addi %mul3A_352, %add3A_700 : i32
      %get3A_702 = arith.index_cast %add3A_701 : i32 to index
      %get3A_703 = arith.constant 0 : index
      %get3A_704 = tpu.vector_load %arg11[%get3A_702, %get3A_703] {strides = array<i32>} : memref<512x64xf32, #tpu.memory_space<vmem>>, vector<16xf32>,
      %get3A_705 = arith.index_cast %add3A_701 : i32 to index
      %get3A_706 = arith.constant 0 : index
      %get3A_707 = tpu.vector_load %arg12[%get3A_705, %get3A_706] {strides = array<i32>} : memref<512x64xf32, #tpu.memory_space<vmem>>, vector<16xf32>,
      %mul3A_708 = arith.mulf %get3A_704, %get3A_707 : vector<16xf32>
      %get3A_709 = arith.index_cast %add3A_701 : i32 to index
      %get3A_710 = arith.constant 16 : index
      %get3A_711 = tpu.vector_load %arg11[%get3A_709, %get3A_710] {strides = array<i32>} : memref<512x64xf32, #tpu.memory_space<vmem>>, vector<16xf32>,
      %get3A_712 = arith.index_cast %add3A_701 : i32 to index
      %get3A_713 = arith.constant 16 : index
      %get3A_714 = tpu.vector_load %arg12[%get3A_712, %get3A_713] {strides = array<i32>} : memref<512x64xf32, #tpu.memory_space<vmem>>, vector<16xf32>,
      %mul3A_715 = arith.mulf %get3A_711, %get3A_714 : vector<16xf32>
      %add3A_716 = arith.addf %mul3A_708, %mul3A_715 : vector<16xf32>
      %get3A_717 = arith.index_cast %add3A_701 : i32 to index
      %get3A_718 = arith.constant 32 : index
      %get3A_719 = tpu.vector_load %arg11[%get3A_717, %get3A_718] {strides = array<i32>} : memref<512x64xf32, #tpu.memory_space<vmem>>, vector<16xf32>,
      %get3A_720 = arith.index_cast %add3A_701 : i32 to index
      %get3A_721 = arith.constant 32 : index
      %get3A_722 = tpu.vector_load %arg12[%get3A_720, %get3A_721] {strides = array<i32>} : memref<512x64xf32, #tpu.memory_space<vmem>>, vector<16xf32>,
      %mul3A_723 = arith.mulf %get3A_719, %get3A_722 : vector<16xf32>
      %add3A_724 = arith.addf %add3A_716, %mul3A_723 : vector<16xf32>
      %get3A_725 = arith.index_cast %add3A_701 : i32 to index
      %get3A_726 = arith.constant 48 : index
      %get3A_727 = tpu.vector_load %arg11[%get3A_725, %get3A_726] {strides = array<i32>} : memref<512x64xf32, #tpu.memory_space<vmem>>, vector<16xf32>,
      %get3A_728 = arith.index_cast %add3A_701 : i32 to index
      %get3A_729 = arith.constant 48 : index
      %get3A_730 = tpu.vector_load %arg12[%get3A_728, %get3A_729] {strides = array<i32>} : memref<512x64xf32, #tpu.memory_space<vmem>>, vector<16xf32>,
      %mul3A_731 = arith.mulf %get3A_727, %get3A_730 : vector<16xf32>
      %add3A_732 = arith.addf %add3A_724, %mul3A_731 : vector<16xf32>
      %reduce_sum3A_733 = arith.constant true
      %reduce_sum3A_734 = vector.broadcast %reduce_sum3A_733 : i1 to vector<16xi1>
      %reduce_sum3A_735 = tpu.scan <sum>, %add3A_732 masked %reduce_sum3A_734 : vector<16xf32>, vector<16xi1> -> vector<16xf32>
      %reduce_sum3A_736 = vector.extract %reduce_sum3A_735[15] : f32 from vector<16xf32>
      %eq3A_737 = arith.constant 8 : i32
      %eq3A_738 = vector.broadcast %eq3A_737 : i32 to vector<16xi32>
      %eq3A_739 = arith.cmpi eq, %iota3A, %eq3A_738 : vector<16xi32>
      %add3A_740 = vector.broadcast %reduce_sum3A_736 : f32 to vector<16xf32>
      %add3A_741 = arith.addf %select_n3A_699, %add3A_740 : vector<16xf32>
      %select_n3A_742 = arith.select %eq3A_739, %add3A_741, %select_n3A_699 : vector<16xi1>, vector<16xf32>
      %add3A_743 = arith.constant 9 : i32
      %add3A_744 = arith.addi %mul3A_352, %add3A_743 : i32
      %get3A_745 = arith.index_cast %add3A_744 : i32 to index
      %get3A_746 = arith.constant 0 : index
      %get3A_747 = tpu.vector_load %arg11[%get3A_745, %get3A_746] {strides = array<i32>} : memref<512x64xf32, #tpu.memory_space<vmem>>, vector<16xf32>,
      %get3A_748 = arith.index_cast %add3A_744 : i32 to index
      %get3A_749 = arith.constant 0 : index
      %get3A_750 = tpu.vector_load %arg12[%get3A_748, %get3A_749] {strides = array<i32>} : memref<512x64xf32, #tpu.memory_space<vmem>>, vector<16xf32>,
      %mul3A_751 = arith.mulf %get3A_747, %get3A_750 : vector<16xf32>
      %get3A_752 = arith.index_cast %add3A_744 : i32 to index
      %get3A_753 = arith.constant 16 : index
      %get3A_754 = tpu.vector_load %arg11[%get3A_752, %get3A_753] {strides = array<i32>} : memref<512x64xf32, #tpu.memory_space<vmem>>, vector<16xf32>,
      %get3A_755 = arith.index_cast %add3A_744 : i32 to index
      %get3A_756 = arith.constant 16 : index
      %get3A_757 = tpu.vector_load %arg12[%get3A_755, %get3A_756] {strides = array<i32>} : memref<512x64xf32, #tpu.memory_space<vmem>>, vector<16xf32>,
      %mul3A_758 = arith.mulf %get3A_754, %get3A_757 : vector<16xf32>
      %add3A_759 = arith.addf %mul3A_751, %mul3A_758 : vector<16xf32>
      %get3A_760 = arith.index_cast %add3A_744 : i32 to index
      %get3A_761 = arith.constant 32 : index
      %get3A_762 = tpu.vector_load %arg11[%get3A_760, %get3A_761] {strides = array<i32>} : memref<512x64xf32, #tpu.memory_space<vmem>>, vector<16xf32>,
      %get3A_763 = arith.index_cast %add3A_744 : i32 to index
      %get3A_764 = arith.constant 32 : index
      %get3A_765 = tpu.vector_load %arg12[%get3A_763, %get3A_764] {strides = array<i32>} : memref<512x64xf32, #tpu.memory_space<vmem>>, vector<16xf32>,
      %mul3A_766 = arith.mulf %get3A_762, %get3A_765 : vector<16xf32>
      %add3A_767 = arith.addf %add3A_759, %mul3A_766 : vector<16xf32>
      %get3A_768 = arith.index_cast %add3A_744 : i32 to index
      %get3A_769 = arith.constant 48 : index
      %get3A_770 = tpu.vector_load %arg11[%get3A_768, %get3A_769] {strides = array<i32>} : memref<512x64xf32, #tpu.memory_space<vmem>>, vector<16xf32>,
      %get3A_771 = arith.index_cast %add3A_744 : i32 to index
      %get3A_772 = arith.constant 48 : index
      %get3A_773 = tpu.vector_load %arg12[%get3A_771, %get3A_772] {strides = array<i32>} : memref<512x64xf32, #tpu.memory_space<vmem>>, vector<16xf32>,
      %mul3A_774 = arith.mulf %get3A_770, %get3A_773 : vector<16xf32>
      %add3A_775 = arith.addf %add3A_767, %mul3A_774 : vector<16xf32>
      %reduce_sum3A_776 = arith.constant true
      %reduce_sum3A_777 = vector.broadcast %reduce_sum3A_776 : i1 to vector<16xi1>
      %reduce_sum3A_778 = tpu.scan <sum>, %add3A_775 masked %reduce_sum3A_777 : vector<16xf32>, vector<16xi1> -> vector<16xf32>
      %reduce_sum3A_779 = vector.extract %reduce_sum3A_778[15] : f32 from vector<16xf32>
      %eq3A_780 = arith.constant 9 : i32
      %eq3A_781 = vector.broadcast %eq3A_780 : i32 to vector<16xi32>
      %eq3A_782 = arith.cmpi eq, %iota3A, %eq3A_781 : vector<16xi32>
      %add3A_783 = vector.broadcast %reduce_sum3A_779 : f32 to vector<16xf32>
      %add3A_784 = arith.addf %select_n3A_742, %add3A_783 : vector<16xf32>
      %select_n3A_785 = arith.select %eq3A_782, %add3A_784, %select_n3A_742 : vector<16xi1>, vector<16xf32>
      %add3A_786 = arith.constant 10 : i32
      %add3A_787 = arith.addi %mul3A_352, %add3A_786 : i32
      %get3A_788 = arith.index_cast %add3A_787 : i32 to index
      %get3A_789 = arith.constant 0 : index
      %get3A_790 = tpu.vector_load %arg11[%get3A_788, %get3A_789] {strides = array<i32>} : memref<512x64xf32, #tpu.memory_space<vmem>>, vector<16xf32>,
      %get3A_791 = arith.index_cast %add3A_787 : i32 to index
      %get3A_792 = arith.constant 0 : index
      %get3A_793 = tpu.vector_load %arg12[%get3A_791, %get3A_792] {strides = array<i32>} : memref<512x64xf32, #tpu.memory_space<vmem>>, vector<16xf32>,
      %mul3A_794 = arith.mulf %get3A_790, %get3A_793 : vector<16xf32>
      %get3A_795 = arith.index_cast %add3A_787 : i32 to index
      %get3A_796 = arith.constant 16 : index
      %get3A_797 = tpu.vector_load %arg11[%get3A_795, %get3A_796] {strides = array<i32>} : memref<512x64xf32, #tpu.memory_space<vmem>>, vector<16xf32>,
      %get3A_798 = arith.index_cast %add3A_787 : i32 to index
      %get3A_799 = arith.constant 16 : index
      %get3A_800 = tpu.vector_load %arg12[%get3A_798, %get3A_799] {strides = array<i32>} : memref<512x64xf32, #tpu.memory_space<vmem>>, vector<16xf32>,
      %mul3A_801 = arith.mulf %get3A_797, %get3A_800 : vector<16xf32>
      %add3A_802 = arith.addf %mul3A_794, %mul3A_801 : vector<16xf32>
      %get3A_803 = arith.index_cast %add3A_787 : i32 to index
      %get3A_804 = arith.constant 32 : index
      %get3A_805 = tpu.vector_load %arg11[%get3A_803, %get3A_804] {strides = array<i32>} : memref<512x64xf32, #tpu.memory_space<vmem>>, vector<16xf32>,
      %get3A_806 = arith.index_cast %add3A_787 : i32 to index
      %get3A_807 = arith.constant 32 : index
      %get3A_808 = tpu.vector_load %arg12[%get3A_806, %get3A_807] {strides = array<i32>} : memref<512x64xf32, #tpu.memory_space<vmem>>, vector<16xf32>,
      %mul3A_809 = arith.mulf %get3A_805, %get3A_808 : vector<16xf32>
      %add3A_810 = arith.addf %add3A_802, %mul3A_809 : vector<16xf32>
      %get3A_811 = arith.index_cast %add3A_787 : i32 to index
      %get3A_812 = arith.constant 48 : index
      %get3A_813 = tpu.vector_load %arg11[%get3A_811, %get3A_812] {strides = array<i32>} : memref<512x64xf32, #tpu.memory_space<vmem>>, vector<16xf32>,
      %get3A_814 = arith.index_cast %add3A_787 : i32 to index
      %get3A_815 = arith.constant 48 : index
      %get3A_816 = tpu.vector_load %arg12[%get3A_814, %get3A_815] {strides = array<i32>} : memref<512x64xf32, #tpu.memory_space<vmem>>, vector<16xf32>,
      %mul3A_817 = arith.mulf %get3A_813, %get3A_816 : vector<16xf32>
      %add3A_818 = arith.addf %add3A_810, %mul3A_817 : vector<16xf32>
      %reduce_sum3A_819 = arith.constant true
      %reduce_sum3A_820 = vector.broadcast %reduce_sum3A_819 : i1 to vector<16xi1>
      %reduce_sum3A_821 = tpu.scan <sum>, %add3A_818 masked %reduce_sum3A_820 : vector<16xf32>, vector<16xi1> -> vector<16xf32>
      %reduce_sum3A_822 = vector.extract %reduce_sum3A_821[15] : f32 from vector<16xf32>
      %eq3A_823 = arith.constant 10 : i32
      %eq3A_824 = vector.broadcast %eq3A_823 : i32 to vector<16xi32>
      %eq3A_825 = arith.cmpi eq, %iota3A, %eq3A_824 : vector<16xi32>
      %add3A_826 = vector.broadcast %reduce_sum3A_822 : f32 to vector<16xf32>
      %add3A_827 = arith.addf %select_n3A_785, %add3A_826 : vector<16xf32>
      %select_n3A_828 = arith.select %eq3A_825, %add3A_827, %select_n3A_785 : vector<16xi1>, vector<16xf32>
      %add3A_829 = arith.constant 11 : i32
      %add3A_830 = arith.addi %mul3A_352, %add3A_829 : i32
      %get3A_831 = arith.index_cast %add3A_830 : i32 to index
      %get3A_832 = arith.constant 0 : index
      %get3A_833 = tpu.vector_load %arg11[%get3A_831, %get3A_832] {strides = array<i32>} : memref<512x64xf32, #tpu.memory_space<vmem>>, vector<16xf32>,
      %get3A_834 = arith.index_cast %add3A_830 : i32 to index
      %get3A_835 = arith.constant 0 : index
      %get3A_836 = tpu.vector_load %arg12[%get3A_834, %get3A_835] {strides = array<i32>} : memref<512x64xf32, #tpu.memory_space<vmem>>, vector<16xf32>,
      %mul3A_837 = arith.mulf %get3A_833, %get3A_836 : vector<16xf32>
      %get3A_838 = arith.index_cast %add3A_830 : i32 to index
      %get3A_839 = arith.constant 16 : index
      %get3A_840 = tpu.vector_load %arg11[%get3A_838, %get3A_839] {strides = array<i32>} : memref<512x64xf32, #tpu.memory_space<vmem>>, vector<16xf32>,
      %get3A_841 = arith.index_cast %add3A_830 : i32 to index
      %get3A_842 = arith.constant 16 : index
      %get3A_843 = tpu.vector_load %arg12[%get3A_841, %get3A_842] {strides = array<i32>} : memref<512x64xf32, #tpu.memory_space<vmem>>, vector<16xf32>,
      %mul3A_844 = arith.mulf %get3A_840, %get3A_843 : vector<16xf32>
      %add3A_845 = arith.addf %mul3A_837, %mul3A_844 : vector<16xf32>
      %get3A_846 = arith.index_cast %add3A_830 : i32 to index
      %get3A_847 = arith.constant 32 : index
      %get3A_848 = tpu.vector_load %arg11[%get3A_846, %get3A_847] {strides = array<i32>} : memref<512x64xf32, #tpu.memory_space<vmem>>, vector<16xf32>,
      %get3A_849 = arith.index_cast %add3A_830 : i32 to index
      %get3A_850 = arith.constant 32 : index
      %get3A_851 = tpu.vector_load %arg12[%get3A_849, %get3A_850] {strides = array<i32>} : memref<512x64xf32, #tpu.memory_space<vmem>>, vector<16xf32>,
      %mul3A_852 = arith.mulf %get3A_848, %get3A_851 : vector<16xf32>
      %add3A_853 = arith.addf %add3A_845, %mul3A_852 : vector<16xf32>
      %get3A_854 = arith.index_cast %add3A_830 : i32 to index
      %get3A_855 = arith.constant 48 : index
      %get3A_856 = tpu.vector_load %arg11[%get3A_854, %get3A_855] {strides = array<i32>} : memref<512x64xf32, #tpu.memory_space<vmem>>, vector<16xf32>,
      %get3A_857 = arith.index_cast %add3A_830 : i32 to index
      %get3A_858 = arith.constant 48 : index
      %get3A_859 = tpu.vector_load %arg12[%get3A_857, %get3A_858] {strides = array<i32>} : memref<512x64xf32, #tpu.memory_space<vmem>>, vector<16xf32>,
      %mul3A_860 = arith.mulf %get3A_856, %get3A_859 : vector<16xf32>
      %add3A_861 = arith.addf %add3A_853, %mul3A_860 : vector<16xf32>
      %reduce_sum3A_862 = arith.constant true
      %reduce_sum3A_863 = vector.broadcast %reduce_sum3A_862 : i1 to vector<16xi1>
      %reduce_sum3A_864 = tpu.scan <sum>, %add3A_861 masked %reduce_sum3A_863 : vector<16xf32>, vector<16xi1> -> vector<16xf32>
      %reduce_sum3A_865 = vector.extract %reduce_sum3A_864[15] : f32 from vector<16xf32>
      %eq3A_866 = arith.constant 11 : i32
      %eq3A_867 = vector.broadcast %eq3A_866 : i32 to vector<16xi32>
      %eq3A_868 = arith.cmpi eq, %iota3A, %eq3A_867 : vector<16xi32>
      %add3A_869 = vector.broadcast %reduce_sum3A_865 : f32 to vector<16xf32>
      %add3A_870 = arith.addf %select_n3A_828, %add3A_869 : vector<16xf32>
      %select_n3A_871 = arith.select %eq3A_868, %add3A_870, %select_n3A_828 : vector<16xi1>, vector<16xf32>
      %add3A_872 = arith.constant 12 : i32
      %add3A_873 = arith.addi %mul3A_352, %add3A_872 : i32
      %get3A_874 = arith.index_cast %add3A_873 : i32 to index
      %get3A_875 = arith.constant 0 : index
      %get3A_876 = tpu.vector_load %arg11[%get3A_874, %get3A_875] {strides = array<i32>} : memref<512x64xf32, #tpu.memory_space<vmem>>, vector<16xf32>,
      %get3A_877 = arith.index_cast %add3A_873 : i32 to index
      %get3A_878 = arith.constant 0 : index
      %get3A_879 = tpu.vector_load %arg12[%get3A_877, %get3A_878] {strides = array<i32>} : memref<512x64xf32, #tpu.memory_space<vmem>>, vector<16xf32>,
      %mul3A_880 = arith.mulf %get3A_876, %get3A_879 : vector<16xf32>
      %get3A_881 = arith.index_cast %add3A_873 : i32 to index
      %get3A_882 = arith.constant 16 : index
      %get3A_883 = tpu.vector_load %arg11[%get3A_881, %get3A_882] {strides = array<i32>} : memref<512x64xf32, #tpu.memory_space<vmem>>, vector<16xf32>,
      %get3A_884 = arith.index_cast %add3A_873 : i32 to index
      %get3A_885 = arith.constant 16 : index
      %get3A_886 = tpu.vector_load %arg12[%get3A_884, %get3A_885] {strides = array<i32>} : memref<512x64xf32, #tpu.memory_space<vmem>>, vector<16xf32>,
      %mul3A_887 = arith.mulf %get3A_883, %get3A_886 : vector<16xf32>
      %add3A_888 = arith.addf %mul3A_880, %mul3A_887 : vector<16xf32>
      %get3A_889 = arith.index_cast %add3A_873 : i32 to index
      %get3A_890 = arith.constant 32 : index
      %get3A_891 = tpu.vector_load %arg11[%get3A_889, %get3A_890] {strides = array<i32>} : memref<512x64xf32, #tpu.memory_space<vmem>>, vector<16xf32>,
      %get3A_892 = arith.index_cast %add3A_873 : i32 to index
      %get3A_893 = arith.constant 32 : index
      %get3A_894 = tpu.vector_load %arg12[%get3A_892, %get3A_893] {strides = array<i32>} : memref<512x64xf32, #tpu.memory_space<vmem>>, vector<16xf32>,
      %mul3A_895 = arith.mulf %get3A_891, %get3A_894 : vector<16xf32>
      %add3A_896 = arith.addf %add3A_888, %mul3A_895 : vector<16xf32>
      %get3A_897 = arith.index_cast %add3A_873 : i32 to index
      %get3A_898 = arith.constant 48 : index
      %get3A_899 = tpu.vector_load %arg11[%get3A_897, %get3A_898] {strides = array<i32>} : memref<512x64xf32, #tpu.memory_space<vmem>>, vector<16xf32>,
      %get3A_900 = arith.index_cast %add3A_873 : i32 to index
      %get3A_901 = arith.constant 48 : index
      %get3A_902 = tpu.vector_load %arg12[%get3A_900, %get3A_901] {strides = array<i32>} : memref<512x64xf32, #tpu.memory_space<vmem>>, vector<16xf32>,
      %mul3A_903 = arith.mulf %get3A_899, %get3A_902 : vector<16xf32>
      %add3A_904 = arith.addf %add3A_896, %mul3A_903 : vector<16xf32>
      %reduce_sum3A_905 = arith.constant true
      %reduce_sum3A_906 = vector.broadcast %reduce_sum3A_905 : i1 to vector<16xi1>
      %reduce_sum3A_907 = tpu.scan <sum>, %add3A_904 masked %reduce_sum3A_906 : vector<16xf32>, vector<16xi1> -> vector<16xf32>
      %reduce_sum3A_908 = vector.extract %reduce_sum3A_907[15] : f32 from vector<16xf32>
      %eq3A_909 = arith.constant 12 : i32
      %eq3A_910 = vector.broadcast %eq3A_909 : i32 to vector<16xi32>
      %eq3A_911 = arith.cmpi eq, %iota3A, %eq3A_910 : vector<16xi32>
      %add3A_912 = vector.broadcast %reduce_sum3A_908 : f32 to vector<16xf32>
      %add3A_913 = arith.addf %select_n3A_871, %add3A_912 : vector<16xf32>
      %select_n3A_914 = arith.select %eq3A_911, %add3A_913, %select_n3A_871 : vector<16xi1>, vector<16xf32>
      %add3A_915 = arith.constant 13 : i32
      %add3A_916 = arith.addi %mul3A_352, %add3A_915 : i32
      %get3A_917 = arith.index_cast %add3A_916 : i32 to index
      %get3A_918 = arith.constant 0 : index
      %get3A_919 = tpu.vector_load %arg11[%get3A_917, %get3A_918] {strides = array<i32>} : memref<512x64xf32, #tpu.memory_space<vmem>>, vector<16xf32>,
      %get3A_920 = arith.index_cast %add3A_916 : i32 to index
      %get3A_921 = arith.constant 0 : index
      %get3A_922 = tpu.vector_load %arg12[%get3A_920, %get3A_921] {strides = array<i32>} : memref<512x64xf32, #tpu.memory_space<vmem>>, vector<16xf32>,
      %mul3A_923 = arith.mulf %get3A_919, %get3A_922 : vector<16xf32>
      %get3A_924 = arith.index_cast %add3A_916 : i32 to index
      %get3A_925 = arith.constant 16 : index
      %get3A_926 = tpu.vector_load %arg11[%get3A_924, %get3A_925] {strides = array<i32>} : memref<512x64xf32, #tpu.memory_space<vmem>>, vector<16xf32>,
      %get3A_927 = arith.index_cast %add3A_916 : i32 to index
      %get3A_928 = arith.constant 16 : index
      %get3A_929 = tpu.vector_load %arg12[%get3A_927, %get3A_928] {strides = array<i32>} : memref<512x64xf32, #tpu.memory_space<vmem>>, vector<16xf32>,
      %mul3A_930 = arith.mulf %get3A_926, %get3A_929 : vector<16xf32>
      %add3A_931 = arith.addf %mul3A_923, %mul3A_930 : vector<16xf32>
      %get3A_932 = arith.index_cast %add3A_916 : i32 to index
      %get3A_933 = arith.constant 32 : index
      %get3A_934 = tpu.vector_load %arg11[%get3A_932, %get3A_933] {strides = array<i32>} : memref<512x64xf32, #tpu.memory_space<vmem>>, vector<16xf32>,
      %get3A_935 = arith.index_cast %add3A_916 : i32 to index
      %get3A_936 = arith.constant 32 : index
      %get3A_937 = tpu.vector_load %arg12[%get3A_935, %get3A_936] {strides = array<i32>} : memref<512x64xf32, #tpu.memory_space<vmem>>, vector<16xf32>,
      %mul3A_938 = arith.mulf %get3A_934, %get3A_937 : vector<16xf32>
      %add3A_939 = arith.addf %add3A_931, %mul3A_938 : vector<16xf32>
      %get3A_940 = arith.index_cast %add3A_916 : i32 to index
      %get3A_941 = arith.constant 48 : index
      %get3A_942 = tpu.vector_load %arg11[%get3A_940, %get3A_941] {strides = array<i32>} : memref<512x64xf32, #tpu.memory_space<vmem>>, vector<16xf32>,
      %get3A_943 = arith.index_cast %add3A_916 : i32 to index
      %get3A_944 = arith.constant 48 : index
      %get3A_945 = tpu.vector_load %arg12[%get3A_943, %get3A_944] {strides = array<i32>} : memref<512x64xf32, #tpu.memory_space<vmem>>, vector<16xf32>,
      %mul3A_946 = arith.mulf %get3A_942, %get3A_945 : vector<16xf32>
      %add3A_947 = arith.addf %add3A_939, %mul3A_946 : vector<16xf32>
      %reduce_sum3A_948 = arith.constant true
      %reduce_sum3A_949 = vector.broadcast %reduce_sum3A_948 : i1 to vector<16xi1>
      %reduce_sum3A_950 = tpu.scan <sum>, %add3A_947 masked %reduce_sum3A_949 : vector<16xf32>, vector<16xi1> -> vector<16xf32>
      %reduce_sum3A_951 = vector.extract %reduce_sum3A_950[15] : f32 from vector<16xf32>
      %eq3A_952 = arith.constant 13 : i32
      %eq3A_953 = vector.broadcast %eq3A_952 : i32 to vector<16xi32>
      %eq3A_954 = arith.cmpi eq, %iota3A, %eq3A_953 : vector<16xi32>
      %add3A_955 = vector.broadcast %reduce_sum3A_951 : f32 to vector<16xf32>
      %add3A_956 = arith.addf %select_n3A_914, %add3A_955 : vector<16xf32>
      %select_n3A_957 = arith.select %eq3A_954, %add3A_956, %select_n3A_914 : vector<16xi1>, vector<16xf32>
      %add3A_958 = arith.constant 14 : i32
      %add3A_959 = arith.addi %mul3A_352, %add3A_958 : i32
      %get3A_960 = arith.index_cast %add3A_959 : i32 to index
      %get3A_961 = arith.constant 0 : index
      %get3A_962 = tpu.vector_load %arg11[%get3A_960, %get3A_961] {strides = array<i32>} : memref<512x64xf32, #tpu.memory_space<vmem>>, vector<16xf32>,
      %get3A_963 = arith.index_cast %add3A_959 : i32 to index
      %get3A_964 = arith.constant 0 : index
      %get3A_965 = tpu.vector_load %arg12[%get3A_963, %get3A_964] {strides = array<i32>} : memref<512x64xf32, #tpu.memory_space<vmem>>, vector<16xf32>,
      %mul3A_966 = arith.mulf %get3A_962, %get3A_965 : vector<16xf32>
      %get3A_967 = arith.index_cast %add3A_959 : i32 to index
      %get3A_968 = arith.constant 16 : index
      %get3A_969 = tpu.vector_load %arg11[%get3A_967, %get3A_968] {strides = array<i32>} : memref<512x64xf32, #tpu.memory_space<vmem>>, vector<16xf32>,
      %get3A_970 = arith.index_cast %add3A_959 : i32 to index
      %get3A_971 = arith.constant 16 : index
      %get3A_972 = tpu.vector_load %arg12[%get3A_970, %get3A_971] {strides = array<i32>} : memref<512x64xf32, #tpu.memory_space<vmem>>, vector<16xf32>,
      %mul3A_973 = arith.mulf %get3A_969, %get3A_972 : vector<16xf32>
      %add3A_974 = arith.addf %mul3A_966, %mul3A_973 : vector<16xf32>
      %get3A_975 = arith.index_cast %add3A_959 : i32 to index
      %get3A_976 = arith.constant 32 : index
      %get3A_977 = tpu.vector_load %arg11[%get3A_975, %get3A_976] {strides = array<i32>} : memref<512x64xf32, #tpu.memory_space<vmem>>, vector<16xf32>,
      %get3A_978 = arith.index_cast %add3A_959 : i32 to index
      %get3A_979 = arith.constant 32 : index
      %get3A_980 = tpu.vector_load %arg12[%get3A_978, %get3A_979] {strides = array<i32>} : memref<512x64xf32, #tpu.memory_space<vmem>>, vector<16xf32>,
      %mul3A_981 = arith.mulf %get3A_977, %get3A_980 : vector<16xf32>
      %add3A_982 = arith.addf %add3A_974, %mul3A_981 : vector<16xf32>
      %get3A_983 = arith.index_cast %add3A_959 : i32 to index
      %get3A_984 = arith.constant 48 : index
      %get3A_985 = tpu.vector_load %arg11[%get3A_983, %get3A_984] {strides = array<i32>} : memref<512x64xf32, #tpu.memory_space<vmem>>, vector<16xf32>,
      %get3A_986 = arith.index_cast %add3A_959 : i32 to index
      %get3A_987 = arith.constant 48 : index
      %get3A_988 = tpu.vector_load %arg12[%get3A_986, %get3A_987] {strides = array<i32>} : memref<512x64xf32, #tpu.memory_space<vmem>>, vector<16xf32>,
      %mul3A_989 = arith.mulf %get3A_985, %get3A_988 : vector<16xf32>
      %add3A_990 = arith.addf %add3A_982, %mul3A_989 : vector<16xf32>
      %reduce_sum3A_991 = arith.constant true
      %reduce_sum3A_992 = vector.broadcast %reduce_sum3A_991 : i1 to vector<16xi1>
      %reduce_sum3A_993 = tpu.scan <sum>, %add3A_990 masked %reduce_sum3A_992 : vector<16xf32>, vector<16xi1> -> vector<16xf32>
      %reduce_sum3A_994 = vector.extract %reduce_sum3A_993[15] : f32 from vector<16xf32>
      %eq3A_995 = arith.constant 14 : i32
      %eq3A_996 = vector.broadcast %eq3A_995 : i32 to vector<16xi32>
      %eq3A_997 = arith.cmpi eq, %iota3A, %eq3A_996 : vector<16xi32>
      %add3A_998 = vector.broadcast %reduce_sum3A_994 : f32 to vector<16xf32>
      %add3A_999 = arith.addf %select_n3A_957, %add3A_998 : vector<16xf32>
      %select_n3A_1000 = arith.select %eq3A_997, %add3A_999, %select_n3A_957 : vector<16xi1>, vector<16xf32>
      %add3A_1001 = arith.constant 15 : i32
      %add3A_1002 = arith.addi %mul3A_352, %add3A_1001 : i32
      %get3A_1003 = arith.index_cast %add3A_1002 : i32 to index
      %get3A_1004 = arith.constant 0 : index
      %get3A_1005 = tpu.vector_load %arg11[%get3A_1003, %get3A_1004] {strides = array<i32>} : memref<512x64xf32, #tpu.memory_space<vmem>>, vector<16xf32>,
      %get3A_1006 = arith.index_cast %add3A_1002 : i32 to index
      %get3A_1007 = arith.constant 0 : index
      %get3A_1008 = tpu.vector_load %arg12[%get3A_1006, %get3A_1007] {strides = array<i32>} : memref<512x64xf32, #tpu.memory_space<vmem>>, vector<16xf32>,
      %mul3A_1009 = arith.mulf %get3A_1005, %get3A_1008 : vector<16xf32>
      %get3A_1010 = arith.index_cast %add3A_1002 : i32 to index
      %get3A_1011 = arith.constant 16 : index
      %get3A_1012 = tpu.vector_load %arg11[%get3A_1010, %get3A_1011] {strides = array<i32>} : memref<512x64xf32, #tpu.memory_space<vmem>>, vector<16xf32>,
      %get3A_1013 = arith.index_cast %add3A_1002 : i32 to index
      %get3A_1014 = arith.constant 16 : index
      %get3A_1015 = tpu.vector_load %arg12[%get3A_1013, %get3A_1014] {strides = array<i32>} : memref<512x64xf32, #tpu.memory_space<vmem>>, vector<16xf32>,
      %mul3A_1016 = arith.mulf %get3A_1012, %get3A_1015 : vector<16xf32>
      %add3A_1017 = arith.addf %mul3A_1009, %mul3A_1016 : vector<16xf32>
      %get3A_1018 = arith.index_cast %add3A_1002 : i32 to index
      %get3A_1019 = arith.constant 32 : index
      %get3A_1020 = tpu.vector_load %arg11[%get3A_1018, %get3A_1019] {strides = array<i32>} : memref<512x64xf32, #tpu.memory_space<vmem>>, vector<16xf32>,
      %get3A_1021 = arith.index_cast %add3A_1002 : i32 to index
      %get3A_1022 = arith.constant 32 : index
      %get3A_1023 = tpu.vector_load %arg12[%get3A_1021, %get3A_1022] {strides = array<i32>} : memref<512x64xf32, #tpu.memory_space<vmem>>, vector<16xf32>,
      %mul3A_1024 = arith.mulf %get3A_1020, %get3A_1023 : vector<16xf32>
      %add3A_1025 = arith.addf %add3A_1017, %mul3A_1024 : vector<16xf32>
      %get3A_1026 = arith.index_cast %add3A_1002 : i32 to index
      %get3A_1027 = arith.constant 48 : index
      %get3A_1028 = tpu.vector_load %arg11[%get3A_1026, %get3A_1027] {strides = array<i32>} : memref<512x64xf32, #tpu.memory_space<vmem>>, vector<16xf32>,
      %get3A_1029 = arith.index_cast %add3A_1002 : i32 to index
      %get3A_1030 = arith.constant 48 : index
      %get3A_1031 = tpu.vector_load %arg12[%get3A_1029, %get3A_1030] {strides = array<i32>} : memref<512x64xf32, #tpu.memory_space<vmem>>, vector<16xf32>,
      %mul3A_1032 = arith.mulf %get3A_1028, %get3A_1031 : vector<16xf32>
      %add3A_1033 = arith.addf %add3A_1025, %mul3A_1032 : vector<16xf32>
      %reduce_sum3A_1034 = arith.constant true
      %reduce_sum3A_1035 = vector.broadcast %reduce_sum3A_1034 : i1 to vector<16xi1>
      %reduce_sum3A_1036 = tpu.scan <sum>, %add3A_1033 masked %reduce_sum3A_1035 : vector<16xf32>, vector<16xi1> -> vector<16xf32>
      %reduce_sum3A_1037 = vector.extract %reduce_sum3A_1036[15] : f32 from vector<16xf32>
      %eq3A_1038 = arith.constant 15 : i32
      %eq3A_1039 = vector.broadcast %eq3A_1038 : i32 to vector<16xi32>
      %eq3A_1040 = arith.cmpi eq, %iota3A, %eq3A_1039 : vector<16xi32>
      %add3A_1041 = vector.broadcast %reduce_sum3A_1037 : f32 to vector<16xf32>
      %add3A_1042 = arith.addf %select_n3A_1000, %add3A_1041 : vector<16xf32>
      %select_n3A_1043 = arith.select %eq3A_1040, %add3A_1042, %select_n3A_1000 : vector<16xi1>, vector<16xf32>
      %swap3A = arith.index_cast %mul3A_352 : i32 to index
      %swap3A_1044 = tpu.vector_load %arg15[%swap3A] {strides = array<i32>} : memref<512xf32, #tpu.memory_space<vmem>>, vector<16xf32>,
      tpu.vector_store %arg15[%swap3A], %select_n3A_1043 {strides = array<i32>} : memref<512xf32, #tpu.memory_space<vmem>>, vector<16xf32>,
    }
    %scan3A_349 = arith.constant 32 : i32
    "tpu.region"() ({
      %run_scoped3A_350 = tpu.sem_alloc : memref<!tpu.dma_semaphore, #tpu.memory_space<semaphore_mem>>
      %dma_start3A_351 = tpu.memref_slice %arg8[%mul3A_2] : memref<16384xf32, #tpu.memory_space<hbm>> -> memref<512xf32, #tpu.memory_space<hbm>>
      %dma_start3A_352 = tpu.memref_slice %arg8[%mul3A_2] : memref<16384xf32, #tpu.memory_space<hbm>> -> memref<512xf32, #tpu.memory_space<hbm>>
      tpu.enqueue_dma source(%arg15 : memref<512xf32, #tpu.memory_space<vmem>>) target(%dma_start3A_352 : memref<512xf32, #tpu.memory_space<hbm>>) target_semaphore(%run_scoped3A_350 : memref<!tpu.dma_semaphore, #tpu.memory_space<semaphore_mem>>)
      %dma_wait3A_353 = tpu.memref_slice %arg8[%mul3A_2] : memref<16384xf32, #tpu.memory_space<hbm>> -> memref<512xf32, #tpu.memory_space<hbm>>
      %dma_wait3A_354 = tpu.memref_slice %arg8[%mul3A_2] : memref<16384xf32, #tpu.memory_space<hbm>> -> memref<512xf32, #tpu.memory_space<hbm>>
      tpu.wait_dma2 semaphore(%run_scoped3A_350 : memref<!tpu.dma_semaphore, #tpu.memory_space<semaphore_mem>>) src(%arg15 : memref<512xf32, #tpu.memory_space<vmem>>) dst(%dma_wait3A_354 : memref<512xf32, #tpu.memory_space<hbm>>)
      tpu.yield
    }) : () -> ()
    return
  }
}

</mosaic_0001>

<sc_bundles>
// kernel: kernel.3.cloned.1.call-start
scs
__scs_entry_jumppad:
0x0: {  	(pc) =	sbr.rel $0x88, $3  }
0x1: {  	(tag) =	ssettag $0x0;
	lr =	simm.s32 $0x1  }
0x2: {  	[smem:$0x3F9A] =	sst lr;
	_ =	strace $0xD0000000  }
0x3: {  	_ = 	snop  }
0x4: {  	_ = 	snop  }
0x5: {  	_ = 	snop  }
0x6: {  	_ = 	snop  }
0x7: {  	_ = 	snop  }
__scs_overlays_trampoline_lowered:
0x8: {  	[smem:$0x3FA9] =	sst s0  }
0x9: {  	[smem:$0x3FAA] =	sst s1  }
0xa: {  	[smem:$0x3FAB] =	sst s2  }
0xb: {  	[smem:$0x3FAC] =	sst s3  }
0xc: {  	[smem:$0x3FAD] =	sst s4  }
0xd: {  	[smem:$0x3FAE] =	sst s5  }
0xe: {  	[smem:$0x3FAF] =	sst s6  }
0xf: {  	[smem:$0x3FB0] =	sst s7  }
0x10: {  	[smem:$0x3FB1] =	sst s8  }
0x11: {  	[smem:$0x3FB2] =	sst s9;
	s0 =	simm.s32 @!p0 $0x0  }
0x12: {  	s1 =	sld [smem:$0x3F98];
	s0 =	simm.s32 @p0 $0x1  }
0x13: {  	[smem:$0x3FB3] =	sst s0;
	s0 =	simm.s32 @!p1 $0x0  }
0x14: {  	s2 =	sld [smem:$0x3F97];
	s0 =	simm.s32 @p1 $0x1  }
0x15: {  	[smem:$0x3FB4] =	sst s0;
	s0 =	simm.s32 @!p2 $0x0  }
0x16: {  	s3 =	sld [smem:$0x3FDB];
	s0 =	simm.s32 @p2 $0x1  }
0x17: {  	s4 =	simm.s32 $0x1BF5;
	[smem:$0x3FB6] =	sst s0  }
0x18: {  	s0 =	sld [smem:$0x3F99];
	_ =	swait.ge [sflag:s4], $0x0  }
0x19: {  	s7 =	sld [smem:$0x3F9A]  }
0x1a: {  	s8 =	sadd.s32 $0xFFFFE003, lr  }
0x1b: {  	s9 =	sadd.s32 $0xFFFFFEF7, lr;
	s5 =	simm.s32 $0xFFFFFFFF;
	p2 =	slt.u32 s8, $0xFFFFF086  }
0x1c: {  	p1 =	slt.u32 s9, $0xF7A;
	s5 =	simm.s32 @!p2 $0x0  }
0x1d: {  	s5 =	simm.s32 @p1 $0x1;
	p0 =	seq.s32 s7, s2  }
0x1e: {  	s7 =	smul.u32 @!p0 $0xF7A, s2;
	p2 =	seq.s32 @!p0 s5, $0x0  }
0x1f: {  	s9 =	smul.u32 $0xF7A, s1;
	s8 =	simm.s32 @!p0 $0x1BF5;
	p2 =	por !p2, p0  }
0x20: {  	[sflag:s8] =	ssyncset.s32 @!p0 $0xFFFFF086;
	s6 =	sadd.s32 @!p0 s3, s7;
	s7 =	simm.s32 @!p0 $0x108  }
0x21: {  	s3 =	sadd.s32 s3, s9;
	s6 =	sadd.s32 @!p0 $0x88, s6;
	s7 =	simm.s32 @p2 $0x1082  }
0x22: {  	[simem:s7], [sflag:s8] =	dma.local @!p0 [hbm:s6], $0xF7A  }
0x23: {  	s9 =	sor.u32 $0xD0000000, s2;
	s6 =	simm.s32 $0x108;
	_ =	swait.ge @!p0 [sflag:s8], $0x0  }
0x24: {  	s3 =	sadd.s32 $0x88, s3;
	s6 =	simm.s32 @!p1 $0x1082;
	[sflag:s4] =	ssyncset.s32 $0xFFFFF086  }
0x25: {  	[simem:s6], [sflag:s4] =	dma.local [hbm:s3], $0xF7A  }
0x26: {  	[smem:$0x3F9A] =	sst s1;
	(tag) =	ssettag s2;
	_ =	strace s9  }
0x27: {  	s1 =	sld [smem:$0x3FAA]  }
0x28: {  	s2 =	sld [smem:$0x3FAB]  }
0x29: {  	s4 =	sld [smem:$0x3FAD]  }
0x2a: {  	p0 =	seq.s32 s5, $0x0;
	s5 =	sld [smem:$0x3FAE]  }
0x2b: {  	s6 =	sld [smem:$0x3FAF]  }
0x2c: {  	s7 =	sld [smem:$0x3FB0]  }
0x2d: {  	s3 =	simm.s32 $0x108;
	s8 =	sld [smem:$0x3FB1]  }
0x2e: {  	s3 =	simm.s32 @!p0 $0x1082;
	s9 =	sld [smem:$0x3FB2]  }
0x2f: {  	lr =	sadd.s32 s0, s3;
	s0 =	sld [smem:$0x3FA9]  }
0x30: {  	s3 =	sld [smem:$0x3FAC]  }
0x31: {  	[smem:$0x3FB5] =	sst s10  }
0x32: {  	s10 =	sld [smem:$0x3FB3];
	_ =	sdelay $0x3  }
0x33: {  	p0 =	seq.s32 s10, $0x1;
	s10 =	sld [smem:$0x3FB5];
	_ =	sdelay $0x3  }
0x34: {  	[smem:$0x3FB5] =	sst s10  }
0x35: {  	s10 =	sld [smem:$0x3FB4];
	_ =	sdelay $0x3  }
0x36: {  	p1 =	seq.s32 s10, $0x1;
	s10 =	sld [smem:$0x3FB5];
	_ =	sdelay $0x3  }
0x37: {  	[smem:$0x3FB5] =	sst s10  }
0x38: {  	s10 =	sld [smem:$0x3FB6]  }
0x39: {  	_ = 	snop;
	(pc) =	sbr.ind lr, $3  }
0x3a: {  	_ = 	snop  }
0x3b: {  	_ = 	snop  }
0x3c: {  	p2 =	seq.s32 s10, $0x1;
	s10 =	sld [smem:$0x3FB5]  }
0x3d: {  	_ =	shalt  }
0x3e: {  	_ =	shalt  }
0x3f: {  	_ =	shalt  }
0x40: {  	_ =	shalt  }
0x41: {  	_ =	shalt  }
0x42: {  	_ =	shalt  }
0x43: {  	_ =	shalt  }
0x44: {  	_ =	shalt  }
0x45: {  	_ =	shalt  }
0x46: {  	_ =	shalt  }
0x47: {  	_ =	shalt  }
0x48: {  	_ =	shalt  }
0x49: {  	_ =	shalt  }
0x4a: {  	_ =	shalt  }
0x4b: {  	_ =	shalt  }
0x4c: {  	_ =	shalt  }
0x4d: {  	_ =	shalt  }
0x4e: {  	_ =	shalt  }
0x4f: {  	_ =	shalt  }
0x50: {  	_ =	shalt  }
0x51: {  	_ =	shalt  }
0x52: {  	_ =	shalt  }
0x53: {  	_ =	shalt  }
0x54: {  	_ =	shalt  }
0x55: {  	_ =	shalt  }
0x56: {  	_ =	shalt  }
0x57: {  	_ =	shalt  }
0x58: {  	_ =	shalt  }
0x59: {  	_ =	shalt  }
0x5a: {  	_ =	shalt  }
0x5b: {  	_ =	shalt  }
0x5c: {  	_ =	shalt  }
0x5d: {  	_ =	shalt  }
0x5e: {  	_ =	shalt  }
0x5f: {  	_ =	shalt  }
0x60: {  	_ =	shalt  }
0x61: {  	_ =	shalt  }
0x62: {  	_ =	shalt  }
0x63: {  	_ =	shalt  }
0x64: {  	_ =	shalt  }
0x65: {  	_ =	shalt  }
0x66: {  	_ =	shalt  }
0x67: {  	_ =	shalt  }
0x68: {  	_ =	shalt  }
0x69: {  	_ =	shalt  }
0x6a: {  	_ =	shalt  }
0x6b: {  	_ =	shalt  }
0x6c: {  	_ =	shalt  }
0x6d: {  	_ =	shalt  }
0x6e: {  	_ =	shalt  }
0x6f: {  	_ =	shalt  }
0x70: {  	_ =	shalt  }
0x71: {  	_ =	shalt  }
0x72: {  	_ =	shalt  }
0x73: {  	_ =	shalt  }
0x74: {  	_ =	shalt  }
0x75: {  	_ =	shalt  }
0x76: {  	_ =	shalt  }
0x77: {  	_ =	shalt  }
0x78: {  	_ =	shalt  }
0x79: {  	_ =	shalt  }
0x7a: {  	_ =	shalt  }
0x7b: {  	_ =	shalt  }
0x7c: {  	_ =	shalt  }
0x7d: {  	_ =	shalt  }
0x7e: {  	_ =	shalt  }
0x7f: {  	_ =	shalt  }
0x80: {  	_ =	shalt  }
0x81: {  	_ =	shalt  }
0x82: {  	_ =	shalt  }
0x83: {  	_ =	shalt  }
0x84: {  	_ =	shalt  }
0x85: {  	_ =	shalt  }
0x86: {  	_ =	shalt  }
0x87: {  	_ =	shalt  }
.Lfunc_end0:
.L_simem_size_0:
called_computation_lowered:
.L_overlay_start_0:
0x88: {  	s2 =	sld [smem:$0x3FD9]  }
0x89: {  	s3 =	sld [smem:$0x3FFE];
	_ =	sdelay $0x1  }
0x8a: {  	s1 =	srdreg.scid  }
0x8b: {  	s0 =	sand.u32 $0x1, s1  }
0x8c: {  	s17 =	sshll.u32 s0, $0xA;
	s2 =	sadd.s32 s3, s2  }
0x8d: {  	s2 =	sadd.s32 s2, s17  }
0x8e: {  	[smem:$0x3FC1] =	sst s2  }
0x8f: {  	_ = 	snop  }
0x90: {  	s2 =	sld [smem:$0x3FC9]  }
0x91: {  	s18 =	sld [smem:$0x3FC8]  }
0x92: {  	s4 =	sld [smem:$0x3FD0];
	(tm) =	ssettm $0x1  }
0x93: {  	s5 =	sld [smem:$0x3FFB];
	_ =	sdelay $0x3  }
0x94: {  	_ =	strace s5  }
0x95: {  	s5 =	sld [smem:$0x3FFC];
	_ =	sdelay $0x3  }
0x96: {  	_ =	strace s5  }
0x97: {  	s5 =	sld [smem:$0x3FFD];
	_ =	sdelay $0x3  }
0x98: {  	_ =	strace s5  }
0x99: {  	_ =	strace $0x8FFFFFFF  }
0x9a: {  	s19 =	sld [smem:$0x3FDB];
	_ =	sdelay $0x1  }
0x9b: {  	s6 =	simm.s32 $_scs_section_size  }
0x9c: {  	s7 =	simm.s32 $_size__tile_overlayer_lowered;
	s8 =	simm.s32 $_tile_overlayer_lowered  }
0x9d: {  	s22 =	simm.s32 $0x1BFF;
	s21 =	sshll.u32 s8, $0x1;
	s5 =	sadd.s32 s6, s19  }
0x9e: {  	s9 =	simm.s32 $0x0;
	s20 =	sshll.u32 s7, $0x1;
	s7 =	sadd.s32 s21, s5  }
0x9f: {  	[timem:s9], [sflag:s22] =	dma.local [hbm:s7], s20  }
0xa0: {  	_ =	swait.ge [sflag:s22], s20  }
0xa1: {  	s6 =	ssub.s32 $0x0, s20;
	[sflag:s22] =	ssyncset.done $0x0  }
0xa2: {  	[sflag:s22] =	ssyncadd.s32 s6;
	_ =	sdelay $0x1  }
0xa3: {  	s23 =	simm.s32 $0x1B8B  }
0xa4: {  	_ =	swait.ge [sflag:s23], $0x1  }
0xa5: {  	[sflag:s23] =	ssyncset.done $0x0  }
0xa6: {  	s25 =	simm.s32 $0x1B8E;
	s24 =	sld [smem:$0x3FFE];
	[sflag:s23] =	ssyncadd.s32 $0xFFFFFFFF  }
0xa7: {  	s26 =	simm.s32 $execute0_lowered;
	[smem:$0x3FD2] =	sst s25  }
0xa8: {  	s7 =	sshll.u32 s26, $0x1;
	_ =	strace $0x80000046;
	[dreg:$0x1] =	wrdreg $0xFFFFFFFF  }
0xa9: {  	s28 =	simm.s32 $_size_execute0_lowered;
	s5 =	sadd.s32 s5, s7;
	[dreg:$0x0] =	wrdreg $0x0  }
0xaa: {  	s7 =	sshll.u32 s28, $0x1;
	[dreg:$0x2] =	wrdreg s5  }
0xab: {  	[dreg:$0x3] =	wrdreg s7  }
0xac: {  	[dreg:$0x4] =	wrdreg $0xC0  }
0xad: {  	_ =	task [dreg:s9], $0x5FFFF  }
0xae: {  	[dreg:$0x1] =	wrdreg $0xFFFFFFFF  }
0xaf: {  	[dreg:$0x0] =	wrdreg $0x60  }
0xb0: {  	[dreg:$0x2] =	wrdreg s2  }
0xb1: {  	[dreg:$0x3] =	wrdreg s18  }
0xb2: {  	[dreg:$0x4] =	wrdreg s24  }
0xb3: {  	[dreg:$0x5] =	wrdreg s4  }
0xb4: {  	[dreg:$0x6] =	wrdreg $0x9  }
0xb5: {  	_ =	task.clear_ibuf [dreg:s9], $0x7FFFF;
	_ =	strace $0x90000046  }
0xb6: {  	s29 =	simm.s32 $0x9;
	_ =	strace $0x80000048  }
0xb7: {  	_ =	swait.ge [sflag:s29], $0x1  }
0xb8: {  	[sflag:s29] =	ssyncadd.s32 $0xFFFFFFFF  }
0xb9: {  	_ =	strace $0x90000048  }
0xba: {  	_ =	sfence  }
0xbb: {  	s30 =	sld [smem:$0x0];
	_ =	sdelay $0x2  }
0xbc: {  	s31 =	sshll.u32 s1, $0xD;
	s1 =	sshrl.u32 s1, $0x2  }
0xbd: {  	s3 =	sand.u32 $0x4000, s31;
	s1 =	sadd.s32 s1, s30  }
0xbe: {  	s0 =	sor.u32 s3, s0;
	s1 =	sshll.u32 s1, $0x11  }
0xbf: {  	s0 =	sor.u32 s1, s0  }
0xc0: {  	s0 =	sadd.s32 $0x8F2B, s0  }
0xc1: {  	[sflag:s0] =	ssyncadd.remote.s32 $0x1  }
0xc2: {  	_ =	sfence.sel $0xFFFF  }
0xc3: {  	[dreg:$0x0] =	wrdreg $0xFFFFFFFF;
	(pc) =	sbr.abs _section_cstart, $3  }
0xc4: {  	[dreg:$0x1] =	wrdreg $0xFFFFFFFF  }
0xc5: {  	_ =	task.clear_ibuf [dreg:s9], $0x2FFFF;
	_ =	strace $0x9FFFFFFF  }
0xc6: {  	(tm) =	ssettm $0x7FFFFFFF  }
0xc7: {  	_ =	shalt  }
tec
execute0_lowered:
.L_overlay_start_1:
0x0: {  	(tag) =	ssettag $0x1  }
0x1: {  	s0 =	rddreg [dreg:$0x0]  }
0x2: {  	s2 =	rddreg [dreg:$0x1]  }
0x3: {  	s15 =	rddreg [dreg:$0x2]  }
0x4: {  	s16 =	rddreg [dreg:$0x3];
	s1 =	simm.s32 $0x0  }
0x5: {  	s5 =	srdreg.scid;
	s9 =	stileid.u32;
	s19 =	simm.s32 $0x200  }
0x6: {  	s20 =	simm.s32 $0x80;
	s21 =	simm.s32 $0x280;
	s22 =	simm.s32 $0x100  }
0x7: {  	s23 =	simm.s32 $0x300;
	s24 =	simm.s32 $0x180;
	s25 =	simm.s32 $0x380  }
0x8: {  	s30 =	simm.s32 $0x1;
	[smem:$0x7FF] =	sst s1;
	s3 =	sadd.s32 $0x16E3A00, s15  }
0x9: {  	s4 =	sadd.s32 $0xF42800, s15;
	s6 =	sand.u32 $0x1, s5;
	s5 =	sadd.s32 $0x400, s15  }
0xa: {  	vm0 =	vmmov $0x1;
	s9 =	sshll.u32 s9, $0x7;
	_ =	strace $0x80000047;
	s7 =	ssub.s32 $0x2, s6  }
0xb: {  	vm1 =	vcmask $0x30C;
	vm2 =	vcmask $0xF0C;
	vm3 =	vcmask $0x714;
	s10 =	sshll.u32 s6, $0x6;
	s6 =	sadd.s32 $0x3D600, s15;
	s8 =	sshrl.u32 s7, $0x1  }
0xc: {  	vm4 =	vcmask $0xF18;
	vm5 =	vcmask $0x131C;
	vm6 =	vcmask $0x1F1C;
	s15 =	sadd.s32 $0x1EC48, s15;
	s18 =	sor.u32 s10, s9;
	s17 =	ssub.s32 s7, s8  }
0xd: {  	vm7 =	vcmask $0x1724;
	vm8 =	vcmask $0x1F28;
	vm9 =	vcmask $0x232C;
	s7 =	sadd.s32 s0, s18;
	s8 =	sadd.s32 s2, s18;
	s10 =	sor.u32 $0x10, s18  }
0xe: {  	vm10 =	vcmask $0x2F2C;
	vm11 =	vcmask $0x2734;
	vm12 =	vcmask $0x2F38;
	s12 =	sor.u32 $0x20, s18;
	s14 =	sor.u32 $0x30, s18;
	s16 =	sadd.s32 s16, s18  }
0xf: {  	vm13 =	vcmask $0x333C;
	vm14 =	vmmov $0x3fff;
	vm15 =	vmmov $0x7fff;
	s18 =	simm.s32 $0x2;
	s9 =	sadd.s32 s0, s10;
	s10 =	sadd.s32 s2, s10  }
0x10: {  	vm2 =	vmor vm3, vm2;
	vm3 =	vcmask $0xB14;
	vm6 =	vmor vm7, vm6;
	s11 =	sadd.s32 s0, s12;
	s12 =	sadd.s32 s2, s12;
	s13 =	sadd.s32 s0, s14  }
0x11: {  	vm7 =	vcmask $0x1B24;
	vm10 =	vmor vm11, vm10;
	vm11 =	vcmask $0x2B34;
	s14 =	sadd.s32 s2, s14;
	s17 =	smax.u32 s17, $0x1;
	s0 =	simm.s32 $0x0  }
.LBB2_1:
0x12: {  	[tilespmem:s1], [sflag:$0x2] =	stream.linear.gather [hbm4b:s7+s1], $0x80, $0x38;
	[tilespmem:$0x10A10] =	vst v63  }
0x13: {  	_ =	swait.ge [sflag:s18], $0x80  }
0x14: {  	[sflag:s18] =	ssyncset.done $0x0  }
0x15: {  	[sflag:s18] =	ssyncadd.s32 $0xFFFFFF80  }
0x16: {  	[tilespmem:s19], [sflag:$0x2] =	stream.linear.gather [hbm4b:s8+s1], $0x80, $0x38;
	[tilespmem:$0x10A10] =	vst v63  }
0x17: {  	_ =	swait.ge [sflag:s18], $0x80  }
0x18: {  	[sflag:s18] =	ssyncset.done $0x0  }
0x19: {  	[sflag:s18] =	ssyncadd.s32 $0xFFFFFF80  }
0x1a: {  	[tilespmem:s20], [sflag:$0x2] =	stream.linear.gather [hbm4b:s9+s1], $0x80, $0x38;
	[tilespmem:$0x10A10] =	vst v63  }
0x1b: {  	_ =	swait.ge [sflag:s18], $0x80  }
0x1c: {  	[sflag:s18] =	ssyncset.done $0x0  }
0x1d: {  	[sflag:s18] =	ssyncadd.s32 $0xFFFFFF80  }
0x1e: {  	[tilespmem:s21], [sflag:$0x2] =	stream.linear.gather [hbm4b:s10+s1], $0x80, $0x38;
	[tilespmem:$0x10A10] =	vst v63  }
0x1f: {  	_ =	swait.ge [sflag:s18], $0x80  }
0x20: {  	[sflag:s18] =	ssyncset.done $0x0  }
0x21: {  	[sflag:s18] =	ssyncadd.s32 $0xFFFFFF80  }
0x22: {  	[tilespmem:s22], [sflag:$0x2] =	stream.linear.gather [hbm4b:s11+s1], $0x80, $0x38;
	[tilespmem:$0x10A10] =	vst v63  }
0x23: {  	_ =	swait.ge [sflag:s18], $0x80  }
0x24: {  	[sflag:s18] =	ssyncset.done $0x0  }
0x25: {  	[sflag:s18] =	ssyncadd.s32 $0xFFFFFF80  }
0x26: {  	[tilespmem:s23], [sflag:$0x2] =	stream.linear.gather [hbm4b:s12+s1], $0x80, $0x38;
	[tilespmem:$0x10A10] =	vst v63  }
0x27: {  	_ =	swait.ge [sflag:s18], $0x80  }
0x28: {  	[sflag:s18] =	ssyncset.done $0x0  }
0x29: {  	[sflag:s18] =	ssyncadd.s32 $0xFFFFFF80  }
0x2a: {  	[tilespmem:s24], [sflag:$0x2] =	stream.linear.gather [hbm4b:s13+s1], $0x80, $0x38;
	[tilespmem:$0x10A10] =	vst v63  }
0x2b: {  	_ =	swait.ge [sflag:s18], $0x80  }
0x2c: {  	[sflag:s18] =	ssyncset.done $0x0  }
0x2d: {  	[sflag:s18] =	ssyncadd.s32 $0xFFFFFF80  }
0x2e: {  	[tilespmem:s25], [sflag:$0x2] =	stream.linear.gather [hbm4b:s14+s1], $0x80, $0x38;
	[tilespmem:$0x10A10] =	vst v63  }
0x2f: {  	_ =	swait.ge [sflag:s18], $0x80  }
0x30: {  	[sflag:s18] =	ssyncset.done $0x0  }
0x31: {  	s2 =	simm.s32 $0x10A00;
	[sflag:s18] =	ssyncadd.s32 $0xFFFFFF80  }
0x32: {  	[tilespmem:s2], [sflag:$0x2] =	stream.linear.gather [hbm4b:s6+s1], $0x10, $0x38;
	[tilespmem:$0x10A10] =	vst v63  }
0x33: {  	_ =	swait.ge [sflag:s18], $0x10  }
0x34: {  	[sflag:s18] =	ssyncset.done $0x0  }
0x35: {  	s26 =	simm.s32 $0x400;
	[sflag:s18] =	ssyncadd.s32 $0xFFFFFFF0  }
0x36: {  	[tilespmem:s26], [sflag:$0x1] =	stream.indirect.gather [hbm4b:s3+s20], $0x40, s1, s20, $0xb8;
	[tilespmem:$0x10A10] =	vst v63  }
0x37: {  	s29 =	simm.s32 $0x8400  }
0x38: {  	[tilespmem:s29], [sflag:$0x1] =	stream.indirect.gather [hbm4b:s4+s20], $0x40, s19, s20, $0xb8;
	[tilespmem:$0x10A10] =	vst v63  }
0x39: {  	s26 =	simm.s32 $0x10400  }
0x3a: {  	[tilespmem:s26], [sflag:$0x1] =	stream.indirect.gather [hbm4b:s5+s20], $0x1, s1, s20, $0xb8;
	[tilespmem:$0x10A10] =	vst v63  }
0x3b: {  	s29 =	simm.s32 $0x10600  }
0x3c: {  	[tilespmem:s29], [sflag:$0x1] =	stream.indirect.gather [hbm4b:s15+s20], $0x1, s19, s20, $0xb8;
	[tilespmem:$0x10A10] =	vst v63  }
0x3d: {  	s26 =	simm.s32 $0x2400  }
0x3e: {  	[tilespmem:s26], [sflag:$0x1] =	stream.indirect.gather [hbm4b:s3+s20], $0x40, s20, s20, $0xb8;
	[tilespmem:$0x10A10] =	vst v63  }
0x3f: {  	s29 =	simm.s32 $0xA400  }
0x40: {  	[tilespmem:s29], [sflag:$0x1] =	stream.indirect.gather [hbm4b:s4+s20], $0x40, s21, s20, $0xb8;
	[tilespmem:$0x10A10] =	vst v63  }
0x41: {  	s26 =	simm.s32 $0x10480  }
0x42: {  	[tilespmem:s26], [sflag:$0x1] =	stream.indirect.gather [hbm4b:s5+s20], $0x1, s20, s20, $0xb8;
	[tilespmem:$0x10A10] =	vst v63  }
0x43: {  	s29 =	simm.s32 $0x10680  }
0x44: {  	[tilespmem:s29], [sflag:$0x1] =	stream.indirect.gather [hbm4b:s15+s20], $0x1, s21, s20, $0xb8;
	[tilespmem:$0x10A10] =	vst v63  }
0x45: {  	s26 =	simm.s32 $0x4400  }
0x46: {  	[tilespmem:s26], [sflag:$0x1] =	stream.indirect.gather [hbm4b:s3+s20], $0x40, s22, s20, $0xb8;
	[tilespmem:$0x10A10] =	vst v63  }
0x47: {  	s29 =	simm.s32 $0xC400  }
0x48: {  	[tilespmem:s29], [sflag:$0x1] =	stream.indirect.gather [hbm4b:s4+s20], $0x40, s23, s20, $0xb8;
	[tilespmem:$0x10A10] =	vst v63  }
0x49: {  	s26 =	simm.s32 $0x10500  }
0x4a: {  	[tilespmem:s26], [sflag:$0x1] =	stream.indirect.gather [hbm4b:s5+s20], $0x1, s22, s20, $0xb8;
	[tilespmem:$0x10A10] =	vst v63  }
0x4b: {  	s29 =	simm.s32 $0x10700  }
0x4c: {  	[tilespmem:s29], [sflag:$0x1] =	stream.indirect.gather [hbm4b:s15+s20], $0x1, s23, s20, $0xb8;
	[tilespmem:$0x10A10] =	vst v63  }
0x4d: {  	s26 =	simm.s32 $0x6400  }
0x4e: {  	[tilespmem:s26], [sflag:$0x1] =	stream.indirect.gather [hbm4b:s3+s20], $0x40, s24, s20, $0xb8;
	[tilespmem:$0x10A10] =	vst v63  }
0x4f: {  	s29 =	simm.s32 $0xE400  }
0x50: {  	[tilespmem:s29], [sflag:$0x1] =	stream.indirect.gather [hbm4b:s4+s20], $0x40, s25, s20, $0xb8;
	[tilespmem:$0x10A10] =	vst v63  }
0x51: {  	s26 =	simm.s32 $0x10580  }
0x52: {  	[tilespmem:s26], [sflag:$0x1] =	stream.indirect.gather [hbm4b:s5+s20], $0x1, s24, s20, $0xb8;
	[tilespmem:$0x10A10] =	vst v63  }
0x53: {  	s29 =	simm.s32 $0x10780  }
0x54: {  	[tilespmem:s29], [sflag:$0x1] =	stream.indirect.gather [hbm4b:s15+s20], $0x1, s25, s20, $0xb8;
	[tilespmem:$0x10A10] =	vst v63  }
0x55: {  	_ =	swait.ge [sflag:s30], $0x2000  }
0x56: {  	[sflag:s30] =	ssyncset.done $0x0  }
0x57: {  	[sflag:s30] =	ssyncadd.s32 $0xFFFFE000  }
0x58: {  	_ =	swait.ge [sflag:s30], $0x2000  }
0x59: {  	[sflag:s30] =	ssyncset.done $0x0  }
0x5a: {  	[sflag:s30] =	ssyncadd.s32 $0xFFFFE000  }
0x5b: {  	_ =	swait.ge [sflag:s30], $0x80  }
0x5c: {  	[sflag:s30] =	ssyncset.done $0x0  }
0x5d: {  	[sflag:s30] =	ssyncadd.s32 $0xFFFFFF80  }
0x5e: {  	_ =	swait.ge [sflag:s30], $0x80  }
0x5f: {  	[sflag:s30] =	ssyncset.done $0x0  }
0x60: {  	[sflag:s30] =	ssyncadd.s32 $0xFFFFFF80  }
0x61: {  	_ =	swait.ge [sflag:s30], $0x2000  }
0x62: {  	[sflag:s30] =	ssyncset.done $0x0  }
0x63: {  	[sflag:s30] =	ssyncadd.s32 $0xFFFFE000  }
0x64: {  	_ =	swait.ge [sflag:s30], $0x2000  }
0x65: {  	[sflag:s30] =	ssyncset.done $0x0  }
0x66: {  	[sflag:s30] =	ssyncadd.s32 $0xFFFFE000  }
0x67: {  	_ =	swait.ge [sflag:s30], $0x80  }
0x68: {  	[sflag:s30] =	ssyncset.done $0x0  }
0x69: {  	[sflag:s30] =	ssyncadd.s32 $0xFFFFFF80  }
0x6a: {  	_ =	swait.ge [sflag:s30], $0x80  }
0x6b: {  	[sflag:s30] =	ssyncset.done $0x0  }
0x6c: {  	[sflag:s30] =	ssyncadd.s32 $0xFFFFFF80  }
0x6d: {  	_ =	swait.ge [sflag:s30], $0x2000  }
0x6e: {  	[sflag:s30] =	ssyncset.done $0x0  }
0x6f: {  	[sflag:s30] =	ssyncadd.s32 $0xFFFFE000  }
0x70: {  	_ =	swait.ge [sflag:s30], $0x2000  }
0x71: {  	[sflag:s30] =	ssyncset.done $0x0  }
0x72: {  	[sflag:s30] =	ssyncadd.s32 $0xFFFFE000  }
0x73: {  	_ =	swait.ge [sflag:s30], $0x80  }
0x74: {  	[sflag:s30] =	ssyncset.done $0x0  }
0x75: {  	[sflag:s30] =	ssyncadd.s32 $0xFFFFFF80  }
0x76: {  	_ =	swait.ge [sflag:s30], $0x80  }
0x77: {  	[sflag:s30] =	ssyncset.done $0x0  }
0x78: {  	[sflag:s30] =	ssyncadd.s32 $0xFFFFFF80  }
0x79: {  	_ =	swait.ge [sflag:s30], $0x2000  }
0x7a: {  	[sflag:s30] =	ssyncset.done $0x0  }
0x7b: {  	[sflag:s30] =	ssyncadd.s32 $0xFFFFE000  }
0x7c: {  	_ =	swait.ge [sflag:s30], $0x2000  }
0x7d: {  	[sflag:s30] =	ssyncset.done $0x0  }
0x7e: {  	[sflag:s30] =	ssyncadd.s32 $0xFFFFE000  }
0x7f: {  	_ =	swait.ge [sflag:s30], $0x80  }
0x80: {  	[sflag:s30] =	ssyncset.done $0x0  }
0x81: {  	[sflag:s30] =	ssyncadd.s32 $0xFFFFFF80  }
0x82: {  	_ =	swait.ge [sflag:s30], $0x80  }
0x83: {  	[sflag:s30] =	ssyncset.done $0x0  }
0x84: {  	s2 =	simm.s32 $0x600;
	[sflag:s30] =	ssyncadd.s32 $0xFFFFFF80  }
0x85: {  	v1 =	vld [tilespmem:s2+$0x1F0];
	_ =	sdelay $0x3  }
0x86: {  	s26 =	simm.s32 $0x8600  }
0x87: {  	[tilespmem:$0x1FEC0] =	vst v1;
	v1 =	vld [tilespmem:s26+$0x1F0];
	_ =	sdelay $0x4  }
0x88: {  	[tilespmem:$0x1FED0] =	vst v1;
	v1 =	vld [tilespmem:s2+$0x1E0];
	_ =	sdelay $0x4  }
0x89: {  	[tilespmem:$0x1FEA0] =	vst v1;
	v1 =	vld [tilespmem:s2+$0x1D0];
	_ =	sdelay $0x4  }
0x8a: {  	[tilespmem:$0x1FE60] =	vst v1;
	v1 =	vld [tilespmem:s26+$0x1E0];
	_ =	sdelay $0x4  }
0x8b: {  	[tilespmem:$0x1FEB0] =	vst v1;
	v1 =	vld [tilespmem:s26+$0x1D0];
	_ =	sdelay $0x4  }
0x8c: {  	[tilespmem:$0x1FE70] =	vst v1;
	v1 =	vld [tilespmem:s26+$0x1C0];
	_ =	sdelay $0x4  }
0x8d: {  	[tilespmem:$0x1FE40] =	vst v1;
	v1 =	vld [tilespmem:s2+$0x1C0];
	_ =	sdelay $0x4  }
0x8e: {  	[tilespmem:$0x1FE50] =	vst v1;
	v1 =	vld [tilespmem:s26+$0x1A0];
	_ =	sdelay $0x4  }
0x8f: {  	[tilespmem:$0x1FFE0] =	vst v1;
	v1 =	vld [tilespmem:s2+$0x1A0];
	_ =	sdelay $0x2  }
0x90: {  	v0 =	vld [tilespmem:$0x10A00]  }
0x91: {  	v29 =	vld [tilespmem:s26+$0x170]  }
0x92: {  	[tilespmem:$0x1FFF0] =	vst v1;
	v1 =	vld [tilespmem:s26+$0x190]  }
0x93: {  	v30 =	vld [tilespmem:s2+$0x170]  }
0x94: {  	v31 =	vld [tilespmem:s26+$0x160]  }
0x95: {  	v32 =	vld [tilespmem:s2+$0x160]  }
0x96: {  	v33 =	vld [tilespmem:s26+$0x150]  }
0x97: {  	[tilespmem:$0x1FF40] =	vst v1;
	v1 =	vld [tilespmem:s2+$0x190]  }
0x98: {  	v34 =	vld [tilespmem:s2+$0x150]  }
0x99: {  	v35 =	vld [tilespmem:s26+$0x140]  }
0x9a: {  	v36 =	vld [tilespmem:s2+$0x140]  }
0x9b: {  	v37 =	vld [tilespmem:s26+$0xB0]  }
0x9c: {  	[tilespmem:$0x1FF50] =	vst v1;
	v1 =	vld [tilespmem:s2+$0x70]  }
0x9d: {  	v38 =	vld [tilespmem:s2+$0xB0]  }
0x9e: {  	v39 =	vld [tilespmem:s26+$0xF0]  }
0x9f: {  	v40 =	vld [tilespmem:s2+$0xF0]  }
0xa0: {  	v41 =	vld [tilespmem:s26+$0xE0]  }
0xa1: {  	[tilespmem:$0x1FFC0] =	vst v1;
	v1 =	vld [tilespmem:s2+$0x30]  }
0xa2: {  	v42 =	vld [tilespmem:s2+$0xE0]  }
0xa3: {  	v43 =	vld [tilespmem:s26+$0xD0]  }
0xa4: {  	v44 =	vld [tilespmem:s2+$0xD0]  }
0xa5: {  	v45 =	vld [tilespmem:s26+$0xC0]  }
0xa6: {  	[tilespmem:$0x1FFA0] =	vst v1;
	v1 =	vld [tilespmem:s26+$0x110]  }
0xa7: {  	v46 =	vld [tilespmem:s2+$0xC0]  }
0xa8: {  	v47 =	vld [tilespmem:s26+$0xA0]  }
0xa9: {  	v48 =	vld [tilespmem:s2+$0xA0]  }
0xaa: {  	v49 =	vld [tilespmem:s26+$0x90]  }
0xab: {  	[tilespmem:$0x1FF70] =	vst v1;
	v1 =	vld [tilespmem:s2+$0x110]  }
0xac: {  	v50 =	vld [tilespmem:s2+$0x90]  }
0xad: {  	v51 =	vld [tilespmem:s26+$0x80]  }
0xae: {  	v52 =	vld [tilespmem:s2+$0x80]  }
0xaf: {  	v53 =	vld [tilespmem:s26+$0xFFFFFFB0]  }
0xb0: {  	[tilespmem:$0x1FF80] =	vst v1;
	v1 =	vld [tilespmem:s26+$0x70]  }
0xb1: {  	v54 =	vld [tilespmem:s2+$0xFFFFFFB0]  }
0xb2: {  	v55 =	vld [tilespmem:s26+$0xFFFFFFF0]  }
0xb3: {  	v56 =	vld [tilespmem:s2+$0xFFFFFFF0]  }
0xb4: {  	v57 =	vld [tilespmem:s26+$0xFFFFFFE0]  }
0xb5: {  	[tilespmem:$0x1FFD0] =	vst v1;
	v1 =	vld [tilespmem:s26+$0x30]  }
0xb6: {  	v58 =	vld [tilespmem:s2+$0xFFFFFFE0]  }
0xb7: {  	v59 =	vld [tilespmem:s26+$0xFFFFFFD0]  }
0xb8: {  	v60 =	vld [tilespmem:s2+$0xFFFFFFD0]  }
0xb9: {  	v61 =	vld [tilespmem:s26+$0xFFFFFFC0]  }
0xba: {  	[tilespmem:$0x1FFB0] =	vst v1;
	v1 =	vld [tilespmem:s26+$0x60]  }
0xbb: {  	v62 =	vld [tilespmem:s2+$0xFFFFFFC0]  }
0xbc: {  	v63 =	vld [tilespmem:s26+$0xFFFFFFA0]  }
0xbd: {  	v19 =	vld [tilespmem:s2+$0xFFFFFFA0]  }
0xbe: {  	v14 =	vld [tilespmem:s26+$0xFFFFFF90]  }
0xbf: {  	[tilespmem:$0x1FF90] =	vst v1;
	v1 =	vld [tilespmem:s26+$0x20]  }
0xc0: {  	v12 =	vld [tilespmem:s2+$0xFFFFFF90]  }
0xc1: {  	v11 =	vld [tilespmem:s26+$0xFFFFFF80]  }
0xc2: {  	v7 =	vld [tilespmem:s2+$0xFFFFFF80]  }
0xc3: {  	v28 =	vld [tilespmem:s26+$0xFFFFFF50]  }
0xc4: {  	[tilespmem:$0x1FF60] =	vst v1;
	v1 =	vld [tilespmem:s26+$0x50]  }
0xc5: {  	v27 =	vld [tilespmem:s2+$0xFFFFFF50]  }
0xc6: {  	v26 =	vld [tilespmem:s26+$0xFFFFFF40]  }
0xc7: {  	v25 =	vld [tilespmem:s26+$0xFFFFFF10]  }
0xc8: {  	v22 =	vld [tilespmem:s2+$0xFFFFFEB0]  }
0xc9: {  	[tilespmem:$0x1FF20] =	vst v1;
	v1 =	vld [tilespmem:s2+$0x50]  }
0xca: {  	v24 =	vld [tilespmem:s2+$0xFFFFFF10]  }
0xcb: {  	v21 =	vld [tilespmem:s26+$0xFFFFFEB0]  }
0xcc: {  	v18 =	vld [tilespmem:s26+$0xFFFFFEF0]  }
0xcd: {  	v15 =	vld [tilespmem:s2+$0xFFFFFEF0]  }
0xce: {  	[tilespmem:$0x1FF30] =	vst v1;
	v1 =	vld [tilespmem:s26+$0x40]  }
0xcf: {  	v17 =	vld [tilespmem:s26+$0xFFFFFEE0]  }
0xd0: {  	v16 =	vld [tilespmem:s2+$0xFFFFFEE0]  }
0xd1: {  	v4 =	vld [tilespmem:s26+$0xFFFFFED0]  }
0xd2: {  	v3 =	vld [tilespmem:s2+$0xFFFFFED0]  }
0xd3: {  	[tilespmem:$0x1FF10] =	vst v1;
	v1 =	vld [tilespmem:s26+$0x10]  }
0xd4: {  	v2 =	vld [tilespmem:s26+$0xFFFFFEC0]  }
0xd5: {  	v23 =	vld [tilespmem:s26+$0xFFFFFE70]  }
0xd6: {  	v10 =	vld [tilespmem:s26+$0xFFFFFEA0]  }
0xd7: {  	v5 =	vld [tilespmem:s2+$0xFFFFFEA0]  }
0xd8: {  	[tilespmem:$0x1FEF0] =	vst v1;
	v1 =	vld [tilespmem:s2+$0x10]  }
0xd9: {  	v13 =	vld [tilespmem:s26+$0xFFFFFE90]  }
0xda: {  	v8 =	vld [tilespmem:s2+$0xFFFFFE90]  }
0xdb: {  	v9 =	vld [tilespmem:s26+$0xFFFFFE80]  }
0xdc: {  	v6 =	vld [tilespmem:s2+$0xFFFFFE80]  }
0xdd: {  	[tilespmem:$0x1FF00] =	vst v1;
	v1 =	vld [tilespmem:s26+$0xFFFFFF70]  }
0xde: {  	v20 =	vld [tilespmem:s26+$0xFFFFFE30]  }
0xdf: {  	v33 =	vmul.f32 v33, v34;
	v34 =	vmul.f32 v35, v36;
	v35 =	vld [tilespmem:s26+$0xFFFFFE60]  }
0xe0: {  	v36 =	vmul.f32 v43, v44;
	v44 =	vld [tilespmem:s26+$0xFFFFFE20]  }
0xe1: {  	v29 =	vmul.f32 v29, v30;
	v30 =	vmul.f32 v31, v32;
	v32 =	vld [tilespmem:s26+$0xFFFFFE50]  }
0xe2: {  	[tilespmem:$0x1FEE0] =	vst v1;
	v1 =	vld [tilespmem:s26+$0xFFFFFF30]  }
0xe3: {  	v43 =	vmul.f32 v45, v46;
	v45 =	vmul.f32 v41, v42;
	v41 =	vld [tilespmem:s26+$0xFFFFFE00]  }
0xe4: {  	v19 =	vmul.f32 v63, v19;
	v63 =	vld [tilespmem:s2+$0x20];
	v46 =	vadd.f32 v33, v34  }
0xe5: {  	v33 =	vmul.f32 v37, v38;
	v37 =	vld [tilespmem:s2+$0xFFFFFE50]  }
0xe6: {  	v30 =	vadd.f32 v30, v46;
	v46 =	vmul.f32 v47, v48;
	v47 =	vmul.f32 v39, v40;
	v39 =	vld [tilespmem:s26+$0xFFFFFE40]  }
0xe7: {  	[tilespmem:$0x1FE90] =	vst v1;
	v1 =	vld [tilespmem:s26+$0xFFFFFF60]  }
0xe8: {  	v48 =	vmul.f32 v49, v50;
	v49 =	vmul.f32 v51, v52;
	v52 =	vld [tilespmem:s2+$0xFFFFFE10]  }
0xe9: {  	v50 =	vmul.f32 v59, v60;
	v60 =	vld [tilespmem:s26+$0xFFFFFE10]  }
0xea: {  	v36 =	vadd.f32 v36, v43;
	v51 =	vmul.f32 v61, v62;
	v61 =	vld [tilespmem:s2+$0xFFFFFE00]  }
0xeb: {  	v59 =	vmul.f32 v57, v58;
	v57 =	vld [tilespmem:s2+$0xFFFFFF20]  }
0xec: {  	v34 =	vadd.f32 v45, v36;
	[tilespmem:$0x1FE80] =	vst v1;
	v1 =	vld [tilespmem:s26+$0xFFFFFF20]  }
0xed: {  	v58 =	vld [tilespmem:s2+$0xFFFFFF60]  }
0xee: {  	v34 =	vadd.f32 v47, v34;
	v47 =	vld [tilespmem:s2+$0xFFFFFE40]  }
0xef: {  	v36 =	vadd.f32 v48, v49;
	v48 =	vld [tilespmem:s2+$0xFFFFFE20]  }
0xf0: {  	v49 =	vld [tilespmem:s2+$0xFFFFFE30]  }
0xf1: {  	[tilespmem:$0x1FE30] =	vst v1;
	v1 =	vld [tilespmem:s2+$0xFFFFFEC0]  }
0xf2: {  	v12 =	vmul.f32 v14, v12;
	v29 =	vadd.f32 v29, v30;
	v30 =	vadd.f32 v50, v51;
	v50 =	vld [tilespmem:s26+$0xFFFFFF00]  }
0xf3: {  	s31 =	simm.s32 $0x0;
	v7 =	vmul.f32 v11, v7;
	v62 =	vadd.f32 v46, v36;
	v46 =	vmul.f32 v55, v56;
	v55 =	vld [tilespmem:s2+$0xFFFFFF40]  }
0xf4: {  	v3 =	vmul.f32 v4, v3;
	v15 =	vmul.f32 v18, v15;
	(xrf2) =	vadd.scan.msk.f32 $0xffff, v29;
	v29 =	vld [tilespmem:s31+$0x10600]  }
0xf5: {  	v16 =	vmul.f32 v17, v16;
	v7 =	vadd.f32 v12, v7;
	v51 =	vmul.f32 v60, v52;
	v52 =	vld [tilespmem:s2+$0xFFFFFF00]  }
0xf6: {  	v8 =	vmul.f32 v13, v8;
	v60 =	vld [tilespmem:s2+$0xFFFFFF30];
	v1 =	vmul.f32 v2, v1  }
0xf7: {  	v6 =	vmul.f32 v9, v6;
	v45 =	vmul.f32 v53, v54;
	v7 =	vadd.f32 v19, v7;
	v2 =	vld [tilespmem:s2+$0xFFFFFE60]  }
0xf8: {  	v30 =	vadd.f32 v59, v30;
	v11 =	vmul.f32 v41, v61;
	v61 =	vld [tilespmem:s2+$0x0];
	v1 =	vadd.f32 v3, v1  }
0xf9: {  	v53 =	vmul.f32 v32, v37;
	v14 =	vadd.f32 v33, v62;
	v3 =	vmul.f32 v10, v5;
	v5 =	vld [tilespmem:s2+$0xFFFFFE70]  }
0xfa: {  	(xrf2) =	vadd.scan.msk.f32 $0xffff, v34;
	v34 =	vld [tilespmem:$0x1FED0];
	v4 =	vadd.f32 v46, v30;
	v54 =	vmul.f32 v39, v47;
	v1 =	vadd.f32 v16, v1  }
0xfb: {  	v6 =	vadd.f32 v8, v6;
	v7 =	vadd.f32 v45, v7;
	v41 =	vld [tilespmem:s2+$0x100];
	(xrf2) =	vadd.scan.msk.f32 $0xffff, v14  }
0xfc: {  	v33 =	vld [tilespmem:$0x1FEC0];
	v8 =	vadd.f32 v53, v54;
	(xrf2) =	vadd.scan.msk.f32 $0xffff, v4;
	v2 =	vmul.f32 v35, v2;
	v1 =	vadd.f32 v15, v1  }
0xfd: {  	v62 =	vmul.f32 v28, v27;
	(xrf2) =	vadd.scan.msk.f32 $0xffff, v7;
	v28 =	vld [tilespmem:$0x1FE80];
	v3 =	vadd.f32 v3, v6;
	v6 =	vmul.f32 v21, v22  }
0xfe: {  	v37 =	vld [tilespmem:$0x1FEE0];
	(xrf2) =	vadd.scan.msk.f32 $0xffff, v1;
	v1 =	vadd.f32 v2, v8;
	v2 =	vmul.f32 v23, v5  }
0xff: {  	v56 =	vmul.f32 v44, v48;
	v10 =	vadd.f32 v51, v11;
	v3 =	vadd.f32 v6, v3;
	v6 =	vld [tilespmem:s2+$0xFFFFFF70]  }
0x100: {  	v31 =	vld [tilespmem:$0x1FEA0];
	v1 =	vadd.f32 v2, v1;
	v2 =	vmul.f32 v26, v55  }
0x101: {  	v59 =	vmul.f32 v20, v49;
	v48 =	vld [tilespmem:s2+$0x120];
	v4 =	vadd.f32 v56, v10  }
0x102: {  	v54 =	vld [tilespmem:s2+$0x180];
	v14 =	vmul.f32 v28, v58;
	v2 =	vadd.f32 v62, v2  }
0x103: {  	v32 =	vld [tilespmem:$0x1FEB0];
	v4 =	vadd.f32 v59, v4  }
0x104: {  	v27 =	vld [tilespmem:$0x1FE70];
	(xrf2) =	vadd.scan.msk.f32 $0xffff, v3;
	v6 =	vmul.f32 v37, v6;
	v2 =	vadd.f32 v14, v2  }
0x105: {  	(xrf2) =	vadd.scan.msk.f32 $0xffff, v4;
	v4 =	vld [tilespmem:s2+$0x40]  }
0x106: {  	v2 =	vadd.f32 v6, v2;
	v6 =	vld [tilespmem:$0x1FF10]  }
0x107: {  	v7 =	vmul.f32 v25, v24;
	v24 =	vld [tilespmem:$0x1FE40]  }
0x108: {  	v25 =	vld [tilespmem:$0x1FE50]  }
0x109: {  	v45 =	vld [tilespmem:$0x1FF40]  }
0x10a: {  	v43 =	vld [tilespmem:$0x1FF30]  }
0x10b: {  	v4 =	vmul.f32 v6, v4;
	v6 =	vld [tilespmem:$0x1FF20]  }
0x10c: {  	v47 =	vld [tilespmem:$0x1FF60];
	v3 =	vmul.f32 v50, v52  }
0x10d: {  	v39 =	vld [tilespmem:$0x1FEF0]  }
0x10e: {  	v3 =	vadd.f32 v7, v3;
	v7 =	vld [tilespmem:$0x1FE30]  }
0x10f: {  	v26 =	vld [tilespmem:$0x1FE60]  }
0x110: {  	v40 =	vld [tilespmem:$0x1FF00];
	v6 =	vmul.f32 v6, v43  }
0x111: {  	(xrf2) =	vadd.scan.msk.f32 $0xffff, v1;
	v1 =	vld [tilespmem:s2+$0x60]  }
0x112: {  	v4 =	vadd.f32 v6, v4;
	v6 =	vld [tilespmem:$0x1FF90]  }
0x113: {  	v5 =	vld [tilespmem:s26+$0x0];
	v7 =	vmul.f32 v7, v57  }
0x114: {  	v12 =	vmul.f32 v24, v25;
	v35 =	vld [tilespmem:s31+$0x10400];
	v13 =	vmul.f32 v27, v26  }
0x115: {  	v9, _, _ =	vpop (xrf2);
	v3 =	vadd.f32 v7, v3;
	v7 =	vld [tilespmem:$0x1FE90]  }
0x116: {  	v30, _, _ =	vpop (xrf2);
	v52 =	vld [tilespmem:$0x1FFB0];
	v12 =	vadd.f32 v13, v12;
	v13 =	vmul.f32 v32, v31  }
0x117: {  	v36, _, _ =	vpop (xrf2);
	v1 =	vmul.f32 v6, v1;
	v6 =	vld [tilespmem:$0x1FFA0]  }
0x118: {  	v38, _, _ =	vpop (xrf2);
	v55 =	vld [tilespmem:$0x1FFD0];
	v5 =	vmul.f32 v5, v61;
	v12 =	vadd.f32 v13, v12;
	v13 =	vmul.f32 v39, v40  }
0x119: {  	v42, _, _ =	vpop (xrf2);
	v1 =	vadd.f32 v1, v4;
	v4 =	vld [tilespmem:$0x1FFC0]  }
0x11a: {  	v46 =	vld [tilespmem:$0x1FF50];
	v10 =	vmul.f32 v47, v63;
	v44, _, _ =	vpop (xrf2);
	v5 =	vadd.f32 v13, v5;
	v7 =	vmul.f32 v7, v60  }
0x11b: {  	v49 =	vld [tilespmem:$0x1FF70];
	v11 =	vadd.f32 v29, v35;
	v51, _, _ =	vpop (xrf2)  }
0x11c: {  	v50 =	vld [tilespmem:$0x1FF80];
	v53, _, _ =	vpop (xrf2);
	v5 =	vadd.f32 v10, v5;
	v3 =	vadd.f32 v7, v3;
	v6 =	vmul.f32 v52, v6  }
0x11d: {  	v10 =	vbroadcast v53, $0xF;
	v7 =	vld [tilespmem:s26+$0x100]  }
0x11e: {  	v58 =	vld [tilespmem:s2+$0x130];
	(xrf2) =	vadd.scan.msk.f32 $0xffff, v3;
	v4 =	vmul.f32 v55, v4;
	v5 =	vadd.f32 v6, v5;
	v6 =	vadd.f32 v11, v0  }
0x11f: {  	v3 =	vld [tilespmem:s26+$0x120];
	(xrf2) =	vadd.scan.msk.f32 $0xffff, v2  }
0x120: {  	v56 =	vld [tilespmem:s26+$0x130];
	v57, _, _ =	vpop (xrf2);
	v1 =	vadd.f32 v4, v1;
	(xrf2) =	vadd.scan.msk.f32 $0xffff, v5;
	v5 =	vadd.f32 v10, v6  }
0x121: {  	v2 =	vld [tilespmem:s26+$0x180];
	v4 =	vbroadcast v57, $0xF  }
0x122: {  	v22 =	vmul.f32 v49, v50;
	v7 =	vmul.f32 v7, v41;
	(xrf2) =	vadd.scan.msk.f32 $0xffff, v1;
	v1 =	vsel vm0, v5, v6;
	v5 =	vld [tilespmem:$0x1FFE0]  }
0x123: {  	v4 =	vadd.f32 v4, v6;
	v6 =	vld [tilespmem:$0x1FFF0]  }
0x124: {  	v62 =	vld [tilespmem:s2+$0x1B0];
	v7 =	vadd.f32 v22, v7;
	v3 =	vmul.f32 v3, v48  }
0x125: {  	v16 =	vmul.f32 v34, v33;
	v21 =	vmul.f32 v45, v46;
	v60 =	vld [tilespmem:s26+$0x1B0]  }
0x126: {  	v2 =	vmul.f32 v2, v54;
	v3 =	vadd.f32 v3, v7;
	v11 =	vmul.f32 v56, v58  }
0x127: {  	v61 =	vbroadcast v44, $0xF;
	v59 =	vbroadcast v51, $0xF;
	v12 =	vadd.f32 v16, v12  }
0x128: {  	v2 =	vadd.f32 v21, v2;
	v3 =	vadd.f32 v11, v3;
	v5 =	vmul.f32 v5, v6;
	v6, _, _ =	vpop (xrf2)  }
0x129: {  	v8 =	vadd.f32 v59, v1;
	v1 =	vsel vm1, v1, v4;
	v4 =	vbroadcast v6, $0xF  }
0x12a: {  	v6 =	vadd.f32 v61, v1;
	v63, _, _ =	vpop (xrf2);
	v2 =	vadd.f32 v5, v2;
	v5 =	vmul.f32 v60, v62  }
0x12b: {  	v7 =	vsel vm2, v1, v8;
	(xrf2) =	vadd.scan.msk.f32 $0xffff, v12;
	v8 =	vbroadcast v63, $0xF  }
0x12c: {  	(xrf2) =	vadd.scan.msk.f32 $0xffff, v3;
	v1 =	vadd.f32 v4, v1;
	v4 =	vsel vm3, v7, v6;
	v2 =	vadd.f32 v5, v2  }
0x12d: {  	v3 =	vbroadcast v42, $0xF;
	v6 =	vadd.f32 v8, v4  }
0x12e: {  	v5 =	vbroadcast v38, $0xF;
	v1 =	vsel vm4, v4, v1  }
0x12f: {  	v4, _, _ =	vpop (xrf2);
	v6 =	vsel vm5, v1, v6;
	v1 =	vadd.f32 v3, v1  }
0x130: {  	(xrf2) =	vadd.scan.msk.f32 $0xffff, v2;
	v3 =	vadd.f32 v5, v6;
	v4 =	vbroadcast v4, $0xF;
	v2, _, _ =	vpop (xrf2)  }
0x131: {  	v1 =	vsel vm6, v6, v1;
	v2 =	vbroadcast v2, $0xF  }
0x132: {  	v5 =	vbroadcast v30, $0xF;
	v4 =	vadd.f32 v4, v6;
	v1 =	vsel vm7, v1, v3  }
0x133: {  	v3 =	vbroadcast v36, $0xF;
	v2 =	vadd.f32 v2, v1  }
0x134: {  	v4 =	vsel vm8, v1, v4  }
0x135: {  	v3 =	vadd.f32 v3, v4;
	v1, _, _ =	vpop (xrf2);
	v4 =	vsel vm9, v4, v2  }
0x136: {  	v2 =	vadd.f32 v5, v4;
	v5, _, _ =	vpop (xrf2)  }
0x137: {  	v5 =	vbroadcast v5, $0xF;
	_ =	sdelay $0x1  }
0x138: {  	v6 =	vbroadcast v9, $0xF;
	v3 =	vsel vm10, v4, v3  }
0x139: {  	v2 =	vsel vm11, v3, v2  }
0x13a: {  	s28 =	simm.s32 $0x40;
	v3 =	vadd.f32 v6, v2;
	v4 =	vadd.f32 v5, v4;
	v5, _, _ =	vpop (xrf2)  }
.LBB2_2:
0x13b: {  	p0 =	sne.s32 s28, $0x7C0;
	v5 =	vbroadcast v5, $0xF;
	s2 =	sadd.s32 $0x400, s2;
	s26 =	sadd.s32 $0x400, s26  }
0x13c: {  	s29 =	smov.u32 s28;
	s28 =	sadd.s32 $0x40, s28;
	v2 =	vsel vm12, v2, v4  }
0x13d: {  	v3 =	vsel vm13, v2, v3;
	v2 =	vadd.f32 v5, v2  }
0x13e: {  	v1 =	vadd.f32 v1, v3  }
0x13f: {  	v2 =	vsel vm14, v3, v2  }
0x140: {  	v1 =	vsel vm15, v2, v1  }
0x141: {  	[tilespmem:s31+$0x10800] =	vst v1  }
0x142: {  	v3 =	vld [tilespmem:s2+$0x1F0]  }
0x143: {  	v4 =	vld [tilespmem:s26+$0x1F0]  }
0x144: {  	v5 =	vld [tilespmem:s2+$0x1E0]  }
0x145: {  	v6 =	vld [tilespmem:s2+$0x1D0]  }
0x146: {  	v7 =	vld [tilespmem:s26+$0x1E0]  }
0x147: {  	v8 =	vld [tilespmem:s26+$0x1D0]  }
0x148: {  	v9 =	vld [tilespmem:s26+$0x1C0]  }
0x149: {  	v10 =	vld [tilespmem:s2+$0x1C0]  }
0x14a: {  	v1 =	vld [tilespmem:s26+$0x1A0]  }
0x14b: {  	v2 =	vld [tilespmem:s2+$0x1A0]  }
0x14c: {  	v11 =	vld [tilespmem:s26+$0x190]  }
0x14d: {  	v12 =	vld [tilespmem:s26+$0x170]  }
0x14e: {  	v6 =	vmul.f32 v8, v6;
	v13 =	vld [tilespmem:s2+$0x170];
	v9 =	vmul.f32 v9, v10  }
0x14f: {  	v8 =	vld [tilespmem:s2+$0x190]  }
0x150: {  	v5 =	vmul.f32 v7, v5;
	v10 =	vld [tilespmem:s26+$0x160];
	v6 =	vadd.f32 v6, v9  }
0x151: {  	v7 =	vld [tilespmem:s2+$0x160]  }
0x152: {  	v3 =	vmul.f32 v4, v3;
	v9 =	vld [tilespmem:s26+$0x150];
	v5 =	vadd.f32 v5, v6  }
0x153: {  	v14 =	vld [tilespmem:s2+$0x150];
	v12 =	vmul.f32 v12, v13  }
0x154: {  	v13 =	vld [tilespmem:s26+$0x140];
	v4 =	vmul.f32 v11, v8;
	v3 =	vadd.f32 v3, v5  }
0x155: {  	v5 =	vld [tilespmem:s2+$0x140]  }
0x156: {  	v6 =	vld [tilespmem:s2+$0x70];
	v8 =	vmul.f32 v10, v7  }
0x157: {  	v7 =	vld [tilespmem:s2+$0x30]  }
0x158: {  	v10 =	vld [tilespmem:s26+$0x110];
	v9 =	vmul.f32 v9, v14  }
0x159: {  	v11 =	vld [tilespmem:s26+$0xB0]  }
0x15a: {  	v14 =	vld [tilespmem:s2+$0xB0];
	v5 =	vmul.f32 v13, v5  }
0x15b: {  	v15 =	vld [tilespmem:s26+$0xF0]  }
0x15c: {  	v13 =	vld [tilespmem:s2+$0x110];
	v5 =	vadd.f32 v9, v5  }
0x15d: {  	v9 =	vld [tilespmem:s2+$0xF0]  }
0x15e: {  	v16 =	vld [tilespmem:s26+$0xE0];
	v5 =	vadd.f32 v8, v5  }
0x15f: {  	v11 =	vmul.f32 v11, v14;
	v14 =	vld [tilespmem:s2+$0xE0]  }
0x160: {  	v17 =	vld [tilespmem:s26+$0xD0];
	v5 =	vadd.f32 v12, v5  }
0x161: {  	v12 =	vld [tilespmem:s2+$0xD0];
	v8 =	vmul.f32 v10, v13  }
0x162: {  	v13 =	vld [tilespmem:s26+$0xC0];
	(xrf2) =	vadd.scan.msk.f32 $0xffff, v5  }
0x163: {  	v5 =	vld [tilespmem:s2+$0xC0]  }
0x164: {  	v10 =	vld [tilespmem:s26+$0x70];
	v14 =	vmul.f32 v16, v14  }
0x165: {  	v16 =	vld [tilespmem:s26+$0xA0]  }
0x166: {  	v18 =	vld [tilespmem:s2+$0xA0];
	v12 =	vmul.f32 v17, v12  }
0x167: {  	v17 =	vld [tilespmem:s26+$0x90]  }
0x168: {  	v19 =	vld [tilespmem:s2+$0x90];
	v5 =	vmul.f32 v13, v5  }
0x169: {  	v20 =	vld [tilespmem:s26+$0x80]  }
0x16a: {  	v21 =	vld [tilespmem:s2+$0x80];
	v22 =	vadd.f32 v12, v5  }
0x16b: {  	v12 =	vld [tilespmem:s26+$0x30];
	v18 =	vmul.f32 v16, v18  }
0x16c: {  	v9 =	vmul.f32 v15, v9;
	v13 =	vld [tilespmem:s26+$0x60];
	v16 =	vadd.f32 v14, v22;
	v5, _, _ =	vpop (xrf2)  }
0x16d: {  	v14 =	vld [tilespmem:s26+$0x20];
	v19 =	vmul.f32 v17, v19  }
0x16e: {  	v15 =	vld [tilespmem:s26+$0x50];
	v9 =	vadd.f32 v9, v16  }
0x16f: {  	v16 =	vld [tilespmem:s2+$0x50];
	v20 =	vmul.f32 v20, v21  }
0x170: {  	v17 =	vld [tilespmem:s26+$0x40];
	(xrf2) =	vadd.scan.msk.f32 $0xffff, v9  }
0x171: {  	v9 =	vld [tilespmem:s26+$0x10];
	v19 =	vadd.f32 v19, v20  }
0x172: {  	v20 =	vld [tilespmem:s26+$0xFFFFFFB0]  }
0x173: {  	v21 =	vld [tilespmem:s2+$0xFFFFFFB0];
	v18 =	vadd.f32 v18, v19  }
0x174: {  	v19 =	vld [tilespmem:s2+$0x10]  }
0x175: {  	v22 =	vld [tilespmem:s26+$0xFFFFFFF0];
	v11 =	vadd.f32 v11, v18  }
0x176: {  	v18 =	vld [tilespmem:s2+$0xFFFFFFF0]  }
0x177: {  	v23 =	vld [tilespmem:s26+$0xFFFFFFE0];
	(xrf2) =	vadd.scan.msk.f32 $0xffff, v11  }
0x178: {  	v20 =	vmul.f32 v20, v21;
	v11 =	vld [tilespmem:s2+$0xFFFFFFE0]  }
0x179: {  	v24 =	vld [tilespmem:s26+$0xFFFFFFD0];
	v19 =	vmul.f32 v9, v19  }
0x17a: {  	v25 =	vld [tilespmem:s2+$0xFFFFFFD0];
	v9, _, _ =	vpop (xrf2)  }
0x17b: {  	v26 =	vld [tilespmem:s26+$0xFFFFFFC0];
	v18 =	vmul.f32 v22, v18  }
0x17c: {  	v22 =	vld [tilespmem:s2+$0xFFFFFFC0]  }
0x17d: {  	v21 =	vld [tilespmem:s26+$0xFFFFFF70];
	v27 =	vmul.f32 v23, v11  }
0x17e: {  	v23 =	vld [tilespmem:s26+$0xFFFFFFA0]  }
0x17f: {  	v28 =	vld [tilespmem:s2+$0xFFFFFFA0];
	v24 =	vmul.f32 v24, v25  }
0x180: {  	v25 =	vld [tilespmem:s26+$0xFFFFFF90]  }
0x181: {  	v29 =	vld [tilespmem:s2+$0xFFFFFF90];
	v22 =	vmul.f32 v26, v22;
	v11, _, _ =	vpop (xrf2)  }
0x182: {  	v26 =	vld [tilespmem:s26+$0xFFFFFF80]  }
0x183: {  	v30 =	vld [tilespmem:s2+$0xFFFFFF80];
	v24 =	vadd.f32 v24, v22  }
0x184: {  	v22 =	vld [tilespmem:s26+$0xFFFFFF30];
	v28 =	vmul.f32 v23, v28  }
0x185: {  	v23 =	vld [tilespmem:s26+$0xFFFFFF60];
	v27 =	vadd.f32 v27, v24  }
0x186: {  	v24 =	vld [tilespmem:s26+$0xFFFFFF20];
	v29 =	vmul.f32 v25, v29  }
0x187: {  	v25 =	vld [tilespmem:s26+$0xFFFFFF50];
	v18 =	vadd.f32 v18, v27  }
0x188: {  	v27 =	vld [tilespmem:s2+$0xFFFFFF50];
	v26 =	vmul.f32 v26, v30  }
0x189: {  	v30 =	vld [tilespmem:s26+$0xFFFFFF40];
	(xrf2) =	vadd.scan.msk.f32 $0xffff, v18  }
0x18a: {  	v18 =	vld [tilespmem:s26+$0xFFFFFF10];
	v26 =	vadd.f32 v29, v26  }
0x18b: {  	v29 =	vld [tilespmem:s2+$0xFFFFFEB0]  }
0x18c: {  	v31 =	vld [tilespmem:s2+$0xFFFFFF10];
	v26 =	vadd.f32 v28, v26  }
0x18d: {  	v28 =	vld [tilespmem:s26+$0xFFFFFEB0]  }
0x18e: {  	v32 =	vld [tilespmem:s26+$0xFFFFFEF0];
	v20 =	vadd.f32 v20, v26  }
0x18f: {  	v26 =	vld [tilespmem:s2+$0xFFFFFEF0]  }
0x190: {  	v33 =	vld [tilespmem:s26+$0xFFFFFEE0];
	(xrf2) =	vadd.scan.msk.f32 $0xffff, v20  }
0x191: {  	v20 =	vld [tilespmem:s2+$0xFFFFFEE0];
	v31 =	vmul.f32 v18, v31  }
0x192: {  	v34 =	vld [tilespmem:s26+$0xFFFFFED0]  }
0x193: {  	v35 =	vld [tilespmem:s2+$0xFFFFFED0];
	v18, _, _ =	vpop (xrf2)  }
0x194: {  	v36 =	vld [tilespmem:s26+$0xFFFFFEC0];
	v26 =	vmul.f32 v32, v26  }
0x195: {  	v32 =	vld [tilespmem:s2+$0xFFFFFEC0]  }
0x196: {  	v37 =	vld [tilespmem:s26+$0xFFFFFE70];
	v33 =	vmul.f32 v33, v20  }
0x197: {  	v38 =	vld [tilespmem:s26+$0xFFFFFEA0]  }
0x198: {  	v39 =	vld [tilespmem:s2+$0xFFFFFEA0];
	v34 =	vmul.f32 v34, v35  }
0x199: {  	v35 =	vld [tilespmem:s26+$0xFFFFFE90]  }
0x19a: {  	v40 =	vld [tilespmem:s2+$0xFFFFFE90];
	v32 =	vmul.f32 v36, v32;
	v20, _, _ =	vpop (xrf2)  }
0x19b: {  	v36 =	vld [tilespmem:s26+$0xFFFFFE80]  }
0x19c: {  	v41 =	vld [tilespmem:s2+$0xFFFFFE80];
	v32 =	vadd.f32 v34, v32  }
0x19d: {  	v34 =	vld [tilespmem:s26+$0xFFFFFE30];
	v38 =	vmul.f32 v38, v39  }
0x19e: {  	v39 =	vld [tilespmem:s26+$0xFFFFFE60];
	v32 =	vadd.f32 v33, v32  }
0x19f: {  	v33 =	vld [tilespmem:s26+$0xFFFFFE20];
	v35 =	vmul.f32 v35, v40  }
0x1a0: {  	v40 =	vld [tilespmem:s26+$0xFFFFFE50];
	v26 =	vadd.f32 v26, v32  }
0x1a1: {  	v32 =	vld [tilespmem:s2+$0xFFFFFE50];
	v36 =	vmul.f32 v36, v41  }
0x1a2: {  	v41 =	vld [tilespmem:s26+$0xFFFFFE40];
	(xrf2) =	vadd.scan.msk.f32 $0xffff, v26  }
0x1a3: {  	v26 =	vld [tilespmem:s26+$0xFFFFFE00];
	v35 =	vadd.f32 v35, v36  }
0x1a4: {  	v36 =	vld [tilespmem:s2+$0xFFFFFE10]  }
0x1a5: {  	v28 =	vmul.f32 v28, v29;
	v42 =	vld [tilespmem:s26+$0xFFFFFE10];
	v35 =	vadd.f32 v38, v35  }
0x1a6: {  	v29 =	vld [tilespmem:s2+$0xFFFFFE00];
	v32 =	vmul.f32 v40, v32  }
0x1a7: {  	v38 =	vld [tilespmem:s2+$0xFFFFFE40];
	v28 =	vadd.f32 v28, v35  }
0x1a8: {  	v35 =	vld [tilespmem:s2+$0xFFFFFE20]  }
0x1a9: {  	v40 =	vld [tilespmem:s2+$0xFFFFFE60];
	(xrf2) =	vadd.scan.msk.f32 $0xffff, v28  }
0x1aa: {  	v28 =	vmul.f32 v42, v36;
	v36 =	vld [tilespmem:s2+$0xFFFFFE30]  }
0x1ab: {  	v26 =	vmul.f32 v26, v29;
	v29 =	vld [tilespmem:s2+$0xFFFFFE70]  }
0x1ac: {  	v38 =	vmul.f32 v41, v38;
	v41 =	vld [tilespmem:s26+$0xFFFFFF00];
	v42, _, _ =	vpop (xrf2)  }
0x1ad: {  	v26 =	vadd.f32 v28, v26;
	v28 =	vmul.f32 v33, v35;
	v33 =	vld [tilespmem:s2+$0xFFFFFF00]  }
0x1ae: {  	v32 =	vadd.f32 v32, v38;
	v35 =	vmul.f32 v39, v40;
	v38 =	vld [tilespmem:s2+$0xFFFFFF40]  }
0x1af: {  	v26 =	vadd.f32 v28, v26;
	v28 =	vmul.f32 v34, v36;
	v34 =	vld [tilespmem:s2+$0xFFFFFF20]  }
0x1b0: {  	v32 =	vadd.f32 v35, v32;
	v29 =	vmul.f32 v37, v29;
	v35 =	vld [tilespmem:s2+$0xFFFFFF60]  }
0x1b1: {  	v36 =	vadd.f32 v28, v26;
	v28 =	vld [tilespmem:s2+$0xFFFFFF30]  }
0x1b2: {  	v29 =	vadd.f32 v29, v32;
	v32 =	vmul.f32 v41, v33;
	v33 =	vld [tilespmem:s2+$0xFFFFFF70]  }
0x1b3: {  	v25 =	vmul.f32 v25, v27;
	v30 =	vmul.f32 v30, v38;
	v27 =	vld [tilespmem:s26+$0x0];
	(xrf2) =	vadd.scan.msk.f32 $0xffff, v36;
	v26, _, _ =	vpop (xrf2)  }
0x1b4: {  	v31 =	vadd.f32 v31, v32;
	v24 =	vmul.f32 v24, v34;
	v32 =	vld [tilespmem:s2+$0x0]  }
0x1b5: {  	v25 =	vadd.f32 v25, v30;
	v23 =	vmul.f32 v23, v35;
	v30 =	vld [tilespmem:s2+$0x40]  }
0x1b6: {  	v24 =	vadd.f32 v24, v31;
	v22 =	vmul.f32 v22, v28;
	v28 =	vld [tilespmem:s2+$0x20];
	(xrf2) =	vadd.scan.msk.f32 $0xffff, v29  }
0x1b7: {  	s31 =	sshra.s32 s29, $0x2;
	v23 =	vadd.f32 v23, v25;
	v21 =	vmul.f32 v21, v33;
	v25 =	vld [tilespmem:s2+$0x60]  }
0x1b8: {  	v29 =	vld [tilespmem:s31+$0x10600];
	v22 =	vadd.f32 v22, v24  }
0x1b9: {  	v24 =	vld [tilespmem:s31+$0x10400];
	v21 =	vadd.f32 v21, v23;
	v23 =	vmul.f32 v27, v32  }
0x1ba: {  	v15 =	vmul.f32 v15, v16;
	v17 =	vmul.f32 v17, v30;
	v16 =	vld [tilespmem:s26+$0x100];
	(xrf2) =	vadd.scan.msk.f32 $0xffff, v22  }
0x1bb: {  	v23 =	vadd.f32 v19, v23;
	v14 =	vmul.f32 v14, v28;
	v22 =	vld [tilespmem:s2+$0x100]  }
0x1bc: {  	v15 =	vadd.f32 v15, v17;
	v13 =	vmul.f32 v13, v25;
	v17 =	vld [tilespmem:s26+$0x120]  }
0x1bd: {  	v7 =	vmul.f32 v12, v7;
	v14 =	vadd.f32 v14, v23;
	v12 =	vld [tilespmem:s2+$0x120];
	v19, _, _ =	vpop (xrf2);
	(xrf2) =	vadd.scan.msk.f32 $0xffff, v21  }
0x1be: {  	v6 =	vmul.f32 v10, v6;
	v23 =	vadd.f32 v29, v24;
	v13 =	vadd.f32 v13, v15;
	v10 =	vld [tilespmem:s26+$0x180]  }
0x1bf: {  	v15 =	vbroadcast v19, $0xF;
	v7 =	vadd.f32 v7, v14;
	v14 =	vld [tilespmem:s2+$0x180]  }
0x1c0: {  	v19 =	vadd.f32 v23, v0;
	v6 =	vadd.f32 v6, v13;
	v13 =	vmul.f32 v16, v22;
	v16 =	vld [tilespmem:s26+$0x130];
	v21, _, _ =	vpop (xrf2)  }
0x1c1: {  	v21 =	vbroadcast v21, $0xF;
	v22 =	vld [tilespmem:s2+$0x130];
	(xrf2) =	vadd.scan.msk.f32 $0xffff, v7  }
0x1c2: {  	v7 =	vadd.f32 v15, v19;
	v15 =	vbroadcast v26, $0xF;
	v8 =	vadd.f32 v8, v13;
	v13 =	vld [tilespmem:s26+$0x1B0]  }
0x1c3: {  	v23 =	vbroadcast v42, $0xF;
	v12 =	vmul.f32 v17, v12;
	v21 =	vadd.f32 v21, v19;
	v17 =	vld [tilespmem:s2+$0x1B0]  }
0x1c4: {  	v1 =	vmul.f32 v1, v2;
	v7 =	vsel vm0, v7, v19;
	v10 =	vmul.f32 v10, v14;
	v2, _, _ =	vpop (xrf2);
	(xrf2) =	vadd.scan.msk.f32 $0xffff, v6  }
0x1c5: {  	v6 =	vsel vm1, v7, v21;
	v7 =	vadd.f32 v15, v7;
	v2 =	vbroadcast v2, $0xF  }
0x1c6: {  	v14 =	vadd.f32 v23, v6;
	v15 =	vmul.f32 v16, v22;
	v4 =	vadd.f32 v4, v10  }
0x1c7: {  	v7 =	vsel vm2, v6, v7;
	v2 =	vadd.f32 v2, v6;
	v6 =	vadd.f32 v12, v8;
	v8, _, _ =	vpop (xrf2)  }
0x1c8: {  	v8 =	vbroadcast v8, $0xF;
	v1 =	vadd.f32 v1, v4;
	v4 =	vmul.f32 v13, v17;
	(xrf2) =	vadd.scan.msk.f32 $0xffff, v3  }
0x1c9: {  	v12 =	vsel vm3, v7, v14;
	v7 =	vbroadcast v20, $0xF;
	v6 =	vadd.f32 v15, v6  }
0x1ca: {  	v10 =	vbroadcast v18, $0xF;
	v8 =	vadd.f32 v8, v12;
	v1 =	vadd.f32 v4, v1  }
0x1cb: {  	v2 =	vsel vm4, v12, v2;
	v3, _, _ =	vpop (xrf2);
	(xrf2) =	vadd.scan.msk.f32 $0xffff, v6  }
0x1cc: {  	v4 =	vsel vm5, v2, v8;
	v2 =	vadd.f32 v7, v2  }
0x1cd: {  	v3 =	vbroadcast v3, $0xF;
	v6 =	vadd.f32 v10, v4  }
0x1ce: {  	v2 =	vsel vm6, v4, v2;
	v7, _, _ =	vpop (xrf2);
	(xrf2) =	vadd.scan.msk.f32 $0xffff, v1  }
0x1cf: {  	v8 =	vadd.f32 v3, v4;
	v3 =	vbroadcast v7, $0xF  }
0x1d0: {  	v4 =	vbroadcast v11, $0xF;
	v2 =	vsel vm7, v2, v6  }
0x1d1: {  	v6 =	vsel vm8, v2, v8;
	v2 =	vadd.f32 v3, v2;
	v3 =	vbroadcast v9, $0xF  }
0x1d2: {  	v4 =	vadd.f32 v4, v6;
	v1, _, _ =	vpop (xrf2)  }
0x1d3: {  	v6 =	vsel vm9, v6, v2  }
.Ltmp0:
0x1d4: {  	v2 =	vsel vm10, v6, v4;
	v3 =	vadd.f32 v3, v6;
	(pc) =	sbr.rel @p0 .LBB2_2-.Ltmp0, $4  }
0x1d5: {  	v4 =	vbroadcast v5, $0xF;
	v5, _, _ =	vpop (xrf2)  }
0x1d6: {  	v2 =	vsel vm11, v2, v3;
	v7 =	vbroadcast v5, $0xF  }
0x1d7: {  	v3 =	vadd.f32 v4, v2  }
0x1d8: {  	v4 =	vadd.f32 v7, v6;
	v5, _, _ =	vpop (xrf2)  }
0x1d9: {  	v0 =	vbroadcast v5, $0xF  }
0x1da: {  	v2 =	vsel vm12, v2, v4  }
0x1db: {  	v3 =	vsel vm13, v2, v3;
	v0 =	vadd.f32 v0, v2  }
0x1dc: {  	v1 =	vadd.f32 v1, v3  }
0x1dd: {  	s0 =	sadd.s32 $0x1, s0;
	v0 =	vsel vm14, v3, v0  }
0x1de: {  	p0 =	sne.s32 s0, s17;
	v0 =	vsel vm15, v0, v1  }
.Ltmp1:
0x1df: {  	s2 =	simm.s32 $0x10800;
	[tilespmem:s31+$0x10800] =	vst v0;
	(pc) =	sbr.rel @p0 .LBB2_1-.Ltmp1, $4  }
0x1e0: {  	[hbm4b:s16+s1] =	stream.linear.scatter [tilespmem:s2], [sflag:$0x2], $0x200, $0x38;
	[tilespmem:$0x10A10] =	vst v63  }
0x1e1: {  	_ =	swait.ge [sflag:s18], $0x200  }
0x1e2: {  	[sflag:s18] =	ssyncset.done $0x0  }
0x1e3: {  	[sflag:s18] =	ssyncadd.s32 $0xFFFFFE00  }
0x1e4: {  	_ =	sfence.sel $0x180000  }
0x1e5: {  	[bflag:$0x0] =	sbarrier.arrive $0xFFFF  }
0x1e6: {  	_ =	strace $0x90000047  }
0x1e7: {  	s0 =	stileid.u32;
	[bflag:$0x2] =	sbarrier.arrive $0xFFFF  }
0x1e8: {  	p0 =	sne.s32 s0, $0x0;
	s0 =	rddreg [dreg:$0x4]  }
0x1e9: {  	s0 =	sadd.s32 @!p0 $0x100000, s0  }
0x1ea: {  	[sflag:s0] =	ssyncadd.tile.s32 @!p0 $0x1;
	_ =	shalt  }
.Lfunc_end2:
_tile_overlayer_lowered:
.L_overlay_start_2:
0x1eb: {  	(tag) =	ssettag $0x2  }
0x1ec: {  	s0 =	rddreg [dreg:$0x0];
	s2 =	stileid.u32  }
0x1ed: {  	s1 =	rddreg [dreg:$0x1];
	p0 =	sne.s32 s2, $0x0  }
0x1ee: {  	s3 =	rddreg [dreg:$0x2];
	[bflag:$0x3] =	sbarrier.arrive $0xFFFF;
	s2 =	simm.s32 @!p0 $0x1C02  }
0x1ef: {  	[timem:s3], [sflag:s2] =	dma.local @!p0 [hbm:s0], s1  }
0x1f0: {  	s0 =	simm.s32 @!p0 $0x2  }
0x1f1: {  	_ =	swait.ge @!p0 [sflag:s0], s1  }
0x1f2: {  	s1 =	ssub.s32 @!p0 $0x0, s1;
	[sflag:s0] =	ssyncset.done @!p0 $0x0  }
0x1f3: {  	[sflag:s0] =	ssyncadd.s32 @!p0 s1  }
0x1f4: {  	[bflag:$0x3] =	sbarrier.arrive $0xFFFF  }
0x1f5: {  	_ =	shalt  }

</sc_bundles>
